<compile_context>
chip_gen: v7x
topology: tpu7x:2x2x1
jax: 0.10.2.dev20260603
libtpu: 0.0.44.dev20260713+nightly
codegen_flags: <defaults>
</compile_context>

<pallas_src>
import functools

import jax
import jax.numpy as jnp
from jax import lax
from jax.experimental import pallas as pl
from jax.experimental.pallas import tpu as pltpu
from jax.experimental.pallas import tpu_sc as plsc

L = 16
N = 8192
NV = N // L
B = 32
D = 128
W = 64
NWIN = N // W
NDEPTH = 8
NC = 2

BINS0, BINS1, BINS2 = 2048, 2048, 1024
SEG0, SEG1, SEG2 = 0, 2048, 4096
NHIST = BINS0 + BINS1 + BINS2


@functools.partial(
    pl.kernel,
    out_type=(
        jax.ShapeDtypeStruct((B * N, D), jnp.float32),
        jax.ShapeDtypeStruct((B, N), jnp.float32),
    ),
    mesh=plsc.VectorSubcoreMesh(core_axis_name="c", subcore_axis_name="s"),
    compiler_params=pltpu.CompilerParams(needs_layout_passes=False),
    scratch_types=[
        pltpu.VMEM((N,), jnp.int32),
        pltpu.VMEM((N,), jnp.int32),
        pltpu.VMEM((N,), jnp.int32),
        pltpu.VMEM((N,), jnp.int32),
        pltpu.VMEM((NHIST,), jnp.int32),
        pltpu.VMEM((N,), jnp.float32),
        pltpu.VMEM((NDEPTH, W, D), jnp.float32),
        [pltpu.SemaphoreType.DMA] * NDEPTH,
    ],
)
def _sc_sort_gather(x_hbm, fit_hbm, y_hbm, fs_hbm,
                    key_v, idx_v, key2_v, idx2_v, hist_v, fit_v, buf_v, sems):
    b = lax.axis_index("s") * NC + lax.axis_index("c")

    pltpu.sync_copy(fit_hbm.at[b], fit_v)

    def zero_body(g, _):
        hist_v[pl.ds(g * L, L)] = jnp.zeros((L,), jnp.int32)
        return 0
    lax.fori_loop(0, NHIST // L, zero_body, 0, unroll=4)

    def digits(k):
        d0 = k & jnp.int32(BINS0 - 1)
        d1 = lax.shift_right_logical(k, 11) & jnp.int32(BINS1 - 1)
        d2 = lax.shift_right_logical(k, 22)
        return d0, d1 + SEG1, d2 + SEG2

    def count_body(v, _):
        f = fit_v[pl.ds(v * L, L)]
        k = lax.bitcast_convert_type(f, jnp.int32)
        k = k ^ (lax.shift_right_arithmetic(k, 31) | jnp.int32(-0x80000000))
        key_v[pl.ds(v * L, L)] = k
        idx_v[pl.ds(v * L, L)] = lax.iota(jnp.int32, L) + v * L
        for d in digits(k):
            cnt, lm = plsc.scan_count(d)
            plsc.addupdate_scatter(hist_v, [d], cnt, mask=lm)
        return 0
    lax.fori_loop(0, NV, count_body, 0, unroll=2)

    for seg, bins in ((SEG0, BINS0), (SEG1, BINS1), (SEG2, BINS2)):
        def scan_body(g, carry, seg=seg):
            s = pl.ds(seg + g * L, L)
            hv = hist_v[s]
            inc = plsc.cumsum(hv) + carry
            hist_v[s] = inc - hv
            return carry + jnp.sum(hv)
        lax.fori_loop(0, bins // L, scan_body, jnp.int32(0), unroll=False)

    def perm1_body(v, _):
        k = key_v[pl.ds(v * L, L)]
        i = idx_v[pl.ds(v * L, L)]
        d = k & jnp.int32(BINS0 - 1)
        cnt, lm = plsc.scan_count(d)
        pos = plsc.load_gather(hist_v, [d]) + cnt - 1
        plsc.store_scatter(key2_v, [pos], k)
        plsc.store_scatter(idx2_v, [pos], i)
        plsc.addupdate_scatter(hist_v, [d], cnt, mask=lm)
        return 0
    lax.fori_loop(0, NV, perm1_body, 0, unroll=2)

    def perm2_body(v, _):
        k = key2_v[pl.ds(v * L, L)]
        i = idx2_v[pl.ds(v * L, L)]
        d = (lax.shift_right_logical(k, 11) & jnp.int32(BINS1 - 1)) + SEG1
        cnt, lm = plsc.scan_count(d)
        pos = plsc.load_gather(hist_v, [d]) + cnt - 1
        plsc.store_scatter(key_v, [pos], k)
        plsc.store_scatter(idx_v, [pos], i)
        plsc.addupdate_scatter(hist_v, [d], cnt, mask=lm)
        return 0
    lax.fori_loop(0, NV, perm2_body, 0, unroll=2)

    def perm3_body(v, _):
        k = key_v[pl.ds(v * L, L)]
        i = idx_v[pl.ds(v * L, L)]
        d = lax.shift_right_logical(k, 22) + SEG2
        cnt, lm = plsc.scan_count(d)
        pos = plsc.load_gather(hist_v, [d]) + cnt - 1
        m2 = lax.shift_right_arithmetic(k, 31)
        kf = k ^ (jnp.int32(-0x80000000) | (~m2 & jnp.int32(0x7FFFFFFF)))
        plsc.store_scatter(fit_v, [pos], lax.bitcast_convert_type(kf, jnp.float32))
        plsc.store_scatter(idx2_v, [pos], i + b * N)
        plsc.addupdate_scatter(hist_v, [d], cnt, mask=lm)
        return 0
    lax.fori_loop(0, NV, perm3_body, 0, unroll=2)

    pltpu.sync_copy(fit_v, fs_hbm.at[b])

    def g_start(w, slot):
        pltpu.async_copy(x_hbm.at[idx2_v.at[pl.ds(w * W, W)]],
                         buf_v.at[slot], sems[slot])

    def g_wait(w, slot):
        pltpu.make_async_copy(x_hbm.at[idx2_v.at[pl.ds(w * W, W)]],
                              buf_v.at[slot], sems[slot]).wait()

    def g_out(w, slot):
        pltpu.sync_copy(buf_v.at[slot], y_hbm.at[pl.ds(b * N + w * W, W)])

    for s in range(NDEPTH):
        g_start(s, s)

    def gather_body(t, _):
        w0 = NDEPTH * t
        for s in range(NDEPTH):
            g_wait(w0 + s, s)
            g_out(w0 + s, s)
            g_start(w0 + s + NDEPTH, s)
        return 0
    lax.fori_loop(0, NWIN // NDEPTH - 1, gather_body, 0, unroll=False)
    for s in range(NDEPTH):
        g_wait(NWIN - NDEPTH + s, s)
        g_out(NWIN - NDEPTH + s, s)


def kernel(x, fitness):
    xflat = x.reshape(B * N, D)
    yflat, fit_sorted = _sc_sort_gather(xflat, fitness)
    return yflat.reshape(B, N, D), fit_sorted

# --- scband reference (transcript-rebuilt; emitter-appended) ---
"""Pipeline reference for scband-base-model-17729624997999 (READ-ONLY COPY).

The authoritative reference and input builder live on the scoring server;
editing this copy changes nothing except your own understanding.
"""

import jax, jax.numpy as jnp
import numpy as np

def setup_inputs(seed: int = 0) -> dict:
    key = jax.random.key(seed)
    k1, k2 = jax.random.split(key)
    x = jax.random.normal(k1, (32, 8192, 128), dtype=jnp.float32)
    fitness = jax.random.normal(k2, (32, 8192), dtype=jnp.float32)
    return {"x": x, "fitness": fitness}

def reference(x, fitness):
    # torch.sort(fitness, dim=-1) -> sorted values + indices
    fit_sorted = jnp.sort(fitness, axis=-1)
    fitindex = jnp.argsort(fitness, axis=-1)
    # per-batch index_select(pop, 0, fitindex[b]) == gather rows along axis 1
    y = jnp.take_along_axis(x, fitindex[:, :, None], axis=1)
    return (y, fit_sorted)

if __name__ == "__main__":
    import jax
    _d = setup_inputs()
    print(jax.jit(kernel)(*tuple(_d.values())))

</pallas_src>

<mosaic_0001>
#map = affine_map<(d0, d1) -> (0, 0)>
module attributes {stable_mosaic.version = 14 : i64} {
  func.func @_sc_sort_gather(%arg0: i32, %arg1: i32, %arg2: memref<262144x128xf32, #tpu.memory_space<hbm>>, %arg3: memref<32x8192xf32, #tpu.memory_space<hbm>>, %arg4: memref<262144x128xf32, #tpu.memory_space<hbm>>, %arg5: memref<32x8192xf32, #tpu.memory_space<hbm>>, %arg6: memref<8192xi32, #tpu.memory_space<vmem>>, %arg7: memref<8192xi32, #tpu.memory_space<vmem>>, %arg8: memref<8192xi32, #tpu.memory_space<vmem>>, %arg9: memref<8192xi32, #tpu.memory_space<vmem>>, %arg10: memref<5120xi32, #tpu.memory_space<vmem>>, %arg11: memref<8192xf32, #tpu.memory_space<vmem>>, %arg12: memref<8x64x128xf32, #tpu.memory_space<vmem>>, %arg13: memref<!tpu.dma_semaphore, #tpu.memory_space<semaphore_mem>>, %arg14: memref<!tpu.dma_semaphore, #tpu.memory_space<semaphore_mem>>, %arg15: memref<!tpu.dma_semaphore, #tpu.memory_space<semaphore_mem>>, %arg16: memref<!tpu.dma_semaphore, #tpu.memory_space<semaphore_mem>>, %arg17: memref<!tpu.dma_semaphore, #tpu.memory_space<semaphore_mem>>, %arg18: memref<!tpu.dma_semaphore, #tpu.memory_space<semaphore_mem>>, %arg19: memref<!tpu.dma_semaphore, #tpu.memory_space<semaphore_mem>>, %arg20: memref<!tpu.dma_semaphore, #tpu.memory_space<semaphore_mem>>) attributes {dimension_semantics = [#tpu.dimension_semantics<core_parallel>, #tpu.dimension_semantics<subcore_parallel>], iteration_bounds = array<i64: 2, 16>, scalar_prefetch = 0 : i64, scratch_operands = 15 : i64, tpu.core_type = #tpu.core_type<sc_vector_subcore>, window_params = [{transform_indices = #map}, {transform_indices = #map}, {transform_indices = #map}, {transform_indices = #map}]} {
    %mul3A = arith.constant 2 : i32
    %mul3A_0 = arith.muli %arg1, %mul3A : i32
    %add3A = arith.addi %mul3A_0, %arg0 : i32
    "tpu.region"() ({
      %run_scoped3A_260 = tpu.sem_alloc : memref<!tpu.dma_semaphore, #tpu.memory_space<semaphore_mem>>
      %dma_start3A_261 = arith.constant 0 : i32
      %dma_start3A_262 = tpu.memref_slice %arg3[%add3A, %dma_start3A_261] : memref<32x8192xf32, #tpu.memory_space<hbm>> -> memref<1x8192xf32, #tpu.memory_space<hbm>>
      %dma_start3A_263 = tpu.memref_squeeze %dma_start3A_262 : memref<1x8192xf32, #tpu.memory_space<hbm>> -> memref<8192xf32, #tpu.memory_space<hbm>>
      %dma_start3A_264 = arith.constant 0 : i32
      %dma_start3A_265 = tpu.memref_slice %arg3[%add3A, %dma_start3A_264] : memref<32x8192xf32, #tpu.memory_space<hbm>> -> memref<1x8192xf32, #tpu.memory_space<hbm>>
      %dma_start3A_266 = tpu.memref_squeeze %dma_start3A_265 : memref<1x8192xf32, #tpu.memory_space<hbm>> -> memref<8192xf32, #tpu.memory_space<hbm>>
      tpu.enqueue_dma source(%dma_start3A_266 : memref<8192xf32, #tpu.memory_space<hbm>>) target(%arg11 : memref<8192xf32, #tpu.memory_space<vmem>>) target_semaphore(%run_scoped3A_260 : memref<!tpu.dma_semaphore, #tpu.memory_space<semaphore_mem>>)
      %dma_wait3A_267 = arith.constant 0 : i32
      %dma_wait3A_268 = tpu.memref_slice %arg3[%add3A, %dma_wait3A_267] : memref<32x8192xf32, #tpu.memory_space<hbm>> -> memref<1x8192xf32, #tpu.memory_space<hbm>>
      %dma_wait3A_269 = tpu.memref_squeeze %dma_wait3A_268 : memref<1x8192xf32, #tpu.memory_space<hbm>> -> memref<8192xf32, #tpu.memory_space<hbm>>
      %dma_wait3A_270 = arith.constant 0 : i32
      %dma_wait3A_271 = tpu.memref_slice %arg3[%add3A, %dma_wait3A_270] : memref<32x8192xf32, #tpu.memory_space<hbm>> -> memref<1x8192xf32, #tpu.memory_space<hbm>>
      %dma_wait3A_272 = tpu.memref_squeeze %dma_wait3A_271 : memref<1x8192xf32, #tpu.memory_space<hbm>> -> memref<8192xf32, #tpu.memory_space<hbm>>
      tpu.wait_dma2 semaphore(%run_scoped3A_260 : memref<!tpu.dma_semaphore, #tpu.memory_space<semaphore_mem>>) src(%dma_wait3A_272 : memref<8192xf32, #tpu.memory_space<hbm>>) dst(%arg11 : memref<8192xf32, #tpu.memory_space<vmem>>)
      tpu.yield
    }) : () -> ()
    %scan3A = arith.constant 0 : i32
    %scan3A_1 = arith.constant 0 : i32
    %scan3A_2 = arith.constant 320 : i32
    %scan3A_3 = arith.addi %scan3A_1, %scan3A_2 : i32
    %scan3A_4 = arith.constant 4 : i32
    %scan3A_5 = scf.for %scan3A_260 = %scan3A_1 to %scan3A_3 step %scan3A_4 iter_args(%scan3A_261 = %scan3A) -> (i32)  : i32 {
      %broadcast_in_dim3A = arith.constant 0 : i32
      %broadcast_in_dim3A_262 = vector.broadcast %broadcast_in_dim3A : i32 to vector<16xi32>
      %mul3A_263 = arith.constant 16 : i32
      %mul3A_264 = arith.muli %scan3A_260, %mul3A_263 : i32
      %swap3A = arith.index_cast %mul3A_264 : i32 to index
      %swap3A_265 = tpu.vector_load %arg10[%swap3A] {strides = array<i32>} : memref<5120xi32, #tpu.memory_space<vmem>>, vector<16xi32>,
      tpu.vector_store %arg10[%swap3A], %broadcast_in_dim3A_262 {strides = array<i32>} : memref<5120xi32, #tpu.memory_space<vmem>>, vector<16xi32>,
      %scan3A_266 = arith.constant 0 : i32
      %scan3A_267 = arith.constant 1 : i32
      %scan3A_268 = arith.addi %scan3A_260, %scan3A_267 : i32
      %broadcast_in_dim3A_269 = arith.constant 0 : i32
      %broadcast_in_dim3A_270 = vector.broadcast %broadcast_in_dim3A_269 : i32 to vector<16xi32>
      %mul3A_271 = arith.constant 16 : i32
      %mul3A_272 = arith.muli %scan3A_268, %mul3A_271 : i32
      %swap3A_273 = arith.index_cast %mul3A_272 : i32 to index
      %swap3A_274 = tpu.vector_load %arg10[%swap3A_273] {strides = array<i32>} : memref<5120xi32, #tpu.memory_space<vmem>>, vector<16xi32>,
      tpu.vector_store %arg10[%swap3A_273], %broadcast_in_dim3A_270 {strides = array<i32>} : memref<5120xi32, #tpu.memory_space<vmem>>, vector<16xi32>,
      %scan3A_275 = arith.constant 0 : i32
      %scan3A_276 = arith.constant 2 : i32
      %scan3A_277 = arith.addi %scan3A_260, %scan3A_276 : i32
      %broadcast_in_dim3A_278 = arith.constant 0 : i32
      %broadcast_in_dim3A_279 = vector.broadcast %broadcast_in_dim3A_278 : i32 to vector<16xi32>
      %mul3A_280 = arith.constant 16 : i32
      %mul3A_281 = arith.muli %scan3A_277, %mul3A_280 : i32
      %swap3A_282 = arith.index_cast %mul3A_281 : i32 to index
      %swap3A_283 = tpu.vector_load %arg10[%swap3A_282] {strides = array<i32>} : memref<5120xi32, #tpu.memory_space<vmem>>, vector<16xi32>,
      tpu.vector_store %arg10[%swap3A_282], %broadcast_in_dim3A_279 {strides = array<i32>} : memref<5120xi32, #tpu.memory_space<vmem>>, vector<16xi32>,
      %scan3A_284 = arith.constant 0 : i32
      %scan3A_285 = arith.constant 3 : i32
      %scan3A_286 = arith.addi %scan3A_260, %scan3A_285 : i32
      %broadcast_in_dim3A_287 = arith.constant 0 : i32
      %broadcast_in_dim3A_288 = vector.broadcast %broadcast_in_dim3A_287 : i32 to vector<16xi32>
      %mul3A_289 = arith.constant 16 : i32
      %mul3A_290 = arith.muli %scan3A_286, %mul3A_289 : i32
      %swap3A_291 = arith.index_cast %mul3A_290 : i32 to index
      %swap3A_292 = tpu.vector_load %arg10[%swap3A_291] {strides = array<i32>} : memref<5120xi32, #tpu.memory_space<vmem>>, vector<16xi32>,
      tpu.vector_store %arg10[%swap3A_291], %broadcast_in_dim3A_288 {strides = array<i32>} : memref<5120xi32, #tpu.memory_space<vmem>>, vector<16xi32>,
      %scan3A_293 = arith.constant 0 : i32
      scf.yield %scan3A_293 : i32
    }
    %scan3A_6 = arith.constant 320 : i32
    %scan3A_7 = arith.constant 0 : i32
    %scan3A_8 = arith.constant 0 : i32
    %scan3A_9 = arith.constant 512 : i32
    %scan3A_10 = arith.addi %scan3A_8, %scan3A_9 : i32
    %scan3A_11 = arith.constant 2 : i32
    %scan3A_12 = scf.for %scan3A_260 = %scan3A_8 to %scan3A_10 step %scan3A_11 iter_args(%scan3A_261 = %scan3A_7) -> (i32)  : i32 {
      %mul3A_262 = arith.constant 16 : i32
      %mul3A_263 = arith.muli %scan3A_260, %mul3A_262 : i32
      %get3A = arith.index_cast %mul3A_263 : i32 to index
      %get3A_264 = tpu.vector_load %arg11[%get3A] {strides = array<i32>} : memref<8192xf32, #tpu.memory_space<vmem>>, vector<16xf32>,
      %bitcast_convert_type3A = tpu.bitcast %get3A_264 : vector<16xf32> -> vector<16xi32>
      %shift_right_arithmetic3A = arith.constant 31 : i32
      %shift_right_arithmetic3A_265 = vector.broadcast %shift_right_arithmetic3A : i32 to vector<16xi32>
      %shift_right_arithmetic3A_266 = arith.shrsi %bitcast_convert_type3A, %shift_right_arithmetic3A_265 : vector<16xi32>
      %or3A = arith.constant -2147483648 : i32
      %or3A_267 = vector.broadcast %or3A : i32 to vector<16xi32>
      %or3A_268 = arith.ori %shift_right_arithmetic3A_266, %or3A_267 : vector<16xi32>
      %xor3A = arith.xori %bitcast_convert_type3A, %or3A_268 : vector<16xi32>
      %mul3A_269 = arith.constant 16 : i32
      %mul3A_270 = arith.muli %scan3A_260, %mul3A_269 : i32
      %swap3A = arith.index_cast %mul3A_270 : i32 to index
      %swap3A_271 = tpu.vector_load %arg6[%swap3A] {strides = array<i32>} : memref<8192xi32, #tpu.memory_space<vmem>>, vector<16xi32>,
      tpu.vector_store %arg6[%swap3A], %xor3A {strides = array<i32>} : memref<8192xi32, #tpu.memory_space<vmem>>, vector<16xi32>,
      %iota3A = tpu.iota {dimensions = array<i32: 0>} : vector<16xi32>
      %mul3A_272 = arith.constant 16 : i32
      %mul3A_273 = arith.muli %scan3A_260, %mul3A_272 : i32
      %add3A_274 = vector.broadcast %mul3A_273 : i32 to vector<16xi32>
      %add3A_275 = arith.addi %iota3A, %add3A_274 : vector<16xi32>
      %mul3A_276 = arith.constant 16 : i32
      %mul3A_277 = arith.muli %scan3A_260, %mul3A_276 : i32
      %swap3A_278 = arith.index_cast %mul3A_277 : i32 to index
      %swap3A_279 = tpu.vector_load %arg7[%swap3A_278] {strides = array<i32>} : memref<8192xi32, #tpu.memory_space<vmem>>, vector<16xi32>,
      tpu.vector_store %arg7[%swap3A_278], %add3A_275 {strides = array<i32>} : memref<8192xi32, #tpu.memory_space<vmem>>, vector<16xi32>,
      %and3A = arith.constant 2047 : i32
      %and3A_280 = vector.broadcast %and3A : i32 to vector<16xi32>
      %and3A_281 = arith.andi %xor3A, %and3A_280 : vector<16xi32>
      %shift_right_logical3A = arith.constant 11 : i32
      %shift_right_logical3A_282 = vector.broadcast %shift_right_logical3A : i32 to vector<16xi32>
      %shift_right_logical3A_283 = arith.shrui %xor3A, %shift_right_logical3A_282 : vector<16xi32>
      %and3A_284 = arith.constant 2047 : i32
      %and3A_285 = vector.broadcast %and3A_284 : i32 to vector<16xi32>
      %and3A_286 = arith.andi %shift_right_logical3A_283, %and3A_285 : vector<16xi32>
      %shift_right_logical3A_287 = arith.constant 22 : i32
      %shift_right_logical3A_288 = vector.broadcast %shift_right_logical3A_287 : i32 to vector<16xi32>
      %shift_right_logical3A_289 = arith.shrui %xor3A, %shift_right_logical3A_288 : vector<16xi32>
      %add3A_290 = arith.constant 2048 : i32
      %add3A_291 = vector.broadcast %add3A_290 : i32 to vector<16xi32>
      %add3A_292 = arith.addi %and3A_286, %add3A_291 : vector<16xi32>
      %add3A_293 = arith.constant 4096 : i32
      %add3A_294 = vector.broadcast %add3A_293 : i32 to vector<16xi32>
      %add3A_295 = arith.addi %shift_right_logical3A_289, %add3A_294 : vector<16xi32>
      %broadcast_in_dim3A = arith.constant true
      %broadcast_in_dim3A_296 = vector.broadcast %broadcast_in_dim3A : i1 to vector<16xi1>
      %unique3A, %unique3A_297 = tpu.scan_count mask(%broadcast_in_dim3A_296 : vector<16xi1>) value(%and3A_281 : vector<16xi32>) : vector<16xi1>, vector<16xi32>
      tpu.vector_store_idx %arg10[%and3A_281], %unique3A_297 masked %unique3A {add = true} : memref<5120xi32, #tpu.memory_space<vmem>>[vector<16xi32>], vector<16xi32>, vector<16xi1>
      %broadcast_in_dim3A_298 = arith.constant true
      %broadcast_in_dim3A_299 = vector.broadcast %broadcast_in_dim3A_298 : i1 to vector<16xi1>
      %unique3A_300, %unique3A_301 = tpu.scan_count mask(%broadcast_in_dim3A_299 : vector<16xi1>) value(%add3A_292 : vector<16xi32>) : vector<16xi1>, vector<16xi32>
      tpu.vector_store_idx %arg10[%add3A_292], %unique3A_301 masked %unique3A_300 {add = true} : memref<5120xi32, #tpu.memory_space<vmem>>[vector<16xi32>], vector<16xi32>, vector<16xi1>
      %broadcast_in_dim3A_302 = arith.constant true
      %broadcast_in_dim3A_303 = vector.broadcast %broadcast_in_dim3A_302 : i1 to vector<16xi1>
      %unique3A_304, %unique3A_305 = tpu.scan_count mask(%broadcast_in_dim3A_303 : vector<16xi1>) value(%add3A_295 : vector<16xi32>) : vector<16xi1>, vector<16xi32>
      tpu.vector_store_idx %arg10[%add3A_295], %unique3A_305 masked %unique3A_304 {add = true} : memref<5120xi32, #tpu.memory_space<vmem>>[vector<16xi32>], vector<16xi32>, vector<16xi1>
      %scan3A_306 = arith.constant 0 : i32
      %scan3A_307 = arith.constant 1 : i32
      %scan3A_308 = arith.addi %scan3A_260, %scan3A_307 : i32
      %mul3A_309 = arith.constant 16 : i32
      %mul3A_310 = arith.muli %scan3A_308, %mul3A_309 : i32
      %get3A_311 = arith.index_cast %mul3A_310 : i32 to index
      %get3A_312 = tpu.vector_load %arg11[%get3A_311] {strides = array<i32>} : memref<8192xf32, #tpu.memory_space<vmem>>, vector<16xf32>,
      %bitcast_convert_type3A_313 = tpu.bitcast %get3A_312 : vector<16xf32> -> vector<16xi32>
      %shift_right_arithmetic3A_314 = arith.constant 31 : i32
      %shift_right_arithmetic3A_315 = vector.broadcast %shift_right_arithmetic3A_314 : i32 to vector<16xi32>
      %shift_right_arithmetic3A_316 = arith.shrsi %bitcast_convert_type3A_313, %shift_right_arithmetic3A_315 : vector<16xi32>
      %or3A_317 = arith.constant -2147483648 : i32
      %or3A_318 = vector.broadcast %or3A_317 : i32 to vector<16xi32>
      %or3A_319 = arith.ori %shift_right_arithmetic3A_316, %or3A_318 : vector<16xi32>
      %xor3A_320 = arith.xori %bitcast_convert_type3A_313, %or3A_319 : vector<16xi32>
      %mul3A_321 = arith.constant 16 : i32
      %mul3A_322 = arith.muli %scan3A_308, %mul3A_321 : i32
      %swap3A_323 = arith.index_cast %mul3A_322 : i32 to index
      %swap3A_324 = tpu.vector_load %arg6[%swap3A_323] {strides = array<i32>} : memref<8192xi32, #tpu.memory_space<vmem>>, vector<16xi32>,
      tpu.vector_store %arg6[%swap3A_323], %xor3A_320 {strides = array<i32>} : memref<8192xi32, #tpu.memory_space<vmem>>, vector<16xi32>,
      %iota3A_325 = tpu.iota {dimensions = array<i32: 0>} : vector<16xi32>
      %mul3A_326 = arith.constant 16 : i32
      %mul3A_327 = arith.muli %scan3A_308, %mul3A_326 : i32
      %add3A_328 = vector.broadcast %mul3A_327 : i32 to vector<16xi32>
      %add3A_329 = arith.addi %iota3A_325, %add3A_328 : vector<16xi32>
      %mul3A_330 = arith.constant 16 : i32
      %mul3A_331 = arith.muli %scan3A_308, %mul3A_330 : i32
      %swap3A_332 = arith.index_cast %mul3A_331 : i32 to index
      %swap3A_333 = tpu.vector_load %arg7[%swap3A_332] {strides = array<i32>} : memref<8192xi32, #tpu.memory_space<vmem>>, vector<16xi32>,
      tpu.vector_store %arg7[%swap3A_332], %add3A_329 {strides = array<i32>} : memref<8192xi32, #tpu.memory_space<vmem>>, vector<16xi32>,
      %and3A_334 = arith.constant 2047 : i32
      %and3A_335 = vector.broadcast %and3A_334 : i32 to vector<16xi32>
      %and3A_336 = arith.andi %xor3A_320, %and3A_335 : vector<16xi32>
      %shift_right_logical3A_337 = arith.constant 11 : i32
      %shift_right_logical3A_338 = vector.broadcast %shift_right_logical3A_337 : i32 to vector<16xi32>
      %shift_right_logical3A_339 = arith.shrui %xor3A_320, %shift_right_logical3A_338 : vector<16xi32>
      %and3A_340 = arith.constant 2047 : i32
      %and3A_341 = vector.broadcast %and3A_340 : i32 to vector<16xi32>
      %and3A_342 = arith.andi %shift_right_logical3A_339, %and3A_341 : vector<16xi32>
      %shift_right_logical3A_343 = arith.constant 22 : i32
      %shift_right_logical3A_344 = vector.broadcast %shift_right_logical3A_343 : i32 to vector<16xi32>
      %shift_right_logical3A_345 = arith.shrui %xor3A_320, %shift_right_logical3A_344 : vector<16xi32>
      %add3A_346 = arith.constant 2048 : i32
      %add3A_347 = vector.broadcast %add3A_346 : i32 to vector<16xi32>
      %add3A_348 = arith.addi %and3A_342, %add3A_347 : vector<16xi32>
      %add3A_349 = arith.constant 4096 : i32
      %add3A_350 = vector.broadcast %add3A_349 : i32 to vector<16xi32>
      %add3A_351 = arith.addi %shift_right_logical3A_345, %add3A_350 : vector<16xi32>
      %broadcast_in_dim3A_352 = arith.constant true
      %broadcast_in_dim3A_353 = vector.broadcast %broadcast_in_dim3A_352 : i1 to vector<16xi1>
      %unique3A_354, %unique3A_355 = tpu.scan_count mask(%broadcast_in_dim3A_353 : vector<16xi1>) value(%and3A_336 : vector<16xi32>) : vector<16xi1>, vector<16xi32>
      tpu.vector_store_idx %arg10[%and3A_336], %unique3A_355 masked %unique3A_354 {add = true} : memref<5120xi32, #tpu.memory_space<vmem>>[vector<16xi32>], vector<16xi32>, vector<16xi1>
      %broadcast_in_dim3A_356 = arith.constant true
      %broadcast_in_dim3A_357 = vector.broadcast %broadcast_in_dim3A_356 : i1 to vector<16xi1>
      %unique3A_358, %unique3A_359 = tpu.scan_count mask(%broadcast_in_dim3A_357 : vector<16xi1>) value(%add3A_348 : vector<16xi32>) : vector<16xi1>, vector<16xi32>
      tpu.vector_store_idx %arg10[%add3A_348], %unique3A_359 masked %unique3A_358 {add = true} : memref<5120xi32, #tpu.memory_space<vmem>>[vector<16xi32>], vector<16xi32>, vector<16xi1>
      %broadcast_in_dim3A_360 = arith.constant true
      %broadcast_in_dim3A_361 = vector.broadcast %broadcast_in_dim3A_360 : i1 to vector<16xi1>
      %unique3A_362, %unique3A_363 = tpu.scan_count mask(%broadcast_in_dim3A_361 : vector<16xi1>) value(%add3A_351 : vector<16xi32>) : vector<16xi1>, vector<16xi32>
      tpu.vector_store_idx %arg10[%add3A_351], %unique3A_363 masked %unique3A_362 {add = true} : memref<5120xi32, #tpu.memory_space<vmem>>[vector<16xi32>], vector<16xi32>, vector<16xi1>
      %scan3A_364 = arith.constant 0 : i32
      scf.yield %scan3A_364 : i32
    }
    %scan3A_13 = arith.constant 512 : i32
    %scan3A_14 = arith.constant 0 : i32
    %scan3A_15 = arith.constant 0 : i32
    %scan3A_16 = arith.constant 128 : i32
    %scan3A_17 = arith.addi %scan3A_15, %scan3A_16 : i32
    %scan3A_18 = arith.constant 1 : i32
    %scan3A_19 = scf.for %scan3A_260 = %scan3A_15 to %scan3A_17 step %scan3A_18 iter_args(%scan3A_261 = %scan3A_14) -> (i32)  : i32 {
      %mul3A_262 = arith.constant 16 : i32
      %mul3A_263 = arith.muli %scan3A_260, %mul3A_262 : i32
      %add3A_264 = arith.constant 0 : i32
      %add3A_265 = arith.addi %add3A_264, %mul3A_263 : i32
      %get3A = arith.index_cast %add3A_265 : i32 to index
      %get3A_266 = tpu.vector_load %arg10[%get3A] {strides = array<i32>} : memref<5120xi32, #tpu.memory_space<vmem>>, vector<16xi32>,
      %broadcast_in_dim3A = arith.constant true
      %broadcast_in_dim3A_267 = vector.broadcast %broadcast_in_dim3A : i1 to vector<16xi1>
      %masked_cumsum3A = tpu.scan <sum>, %get3A_266 masked %broadcast_in_dim3A_267 : vector<16xi32>, vector<16xi1> -> vector<16xi32>
      %add3A_268 = vector.broadcast %scan3A_261 : i32 to vector<16xi32>
      %add3A_269 = arith.addi %masked_cumsum3A, %add3A_268 : vector<16xi32>
      %sub3A = arith.subi %add3A_269, %get3A_266 : vector<16xi32>
      %swap3A = arith.index_cast %add3A_265 : i32 to index
      %swap3A_270 = tpu.vector_load %arg10[%swap3A] {strides = array<i32>} : memref<5120xi32, #tpu.memory_space<vmem>>, vector<16xi32>,
      tpu.vector_store %arg10[%swap3A], %sub3A {strides = array<i32>} : memref<5120xi32, #tpu.memory_space<vmem>>, vector<16xi32>,
      %reduce_sum3A = arith.constant true
      %reduce_sum3A_271 = vector.broadcast %reduce_sum3A : i1 to vector<16xi1>
      %reduce_sum3A_272 = tpu.scan <sum>, %get3A_266 masked %reduce_sum3A_271 : vector<16xi32>, vector<16xi1> -> vector<16xi32>
      %reduce_sum3A_273 = vector.extract %reduce_sum3A_272[15] : i32 from vector<16xi32>
      %add3A_274 = arith.addi %scan3A_261, %reduce_sum3A_273 : i32
      scf.yield %add3A_274 : i32
    }
    %scan3A_20 = arith.constant 128 : i32
    %scan3A_21 = arith.constant 0 : i32
    %scan3A_22 = arith.constant 0 : i32
    %scan3A_23 = arith.constant 128 : i32
    %scan3A_24 = arith.addi %scan3A_22, %scan3A_23 : i32
    %scan3A_25 = arith.constant 1 : i32
    %scan3A_26 = scf.for %scan3A_260 = %scan3A_22 to %scan3A_24 step %scan3A_25 iter_args(%scan3A_261 = %scan3A_21) -> (i32)  : i32 {
      %mul3A_262 = arith.constant 16 : i32
      %mul3A_263 = arith.muli %scan3A_260, %mul3A_262 : i32
      %add3A_264 = arith.constant 2048 : i32
      %add3A_265 = arith.addi %add3A_264, %mul3A_263 : i32
      %get3A = arith.index_cast %add3A_265 : i32 to index
      %get3A_266 = tpu.vector_load %arg10[%get3A] {strides = array<i32>} : memref<5120xi32, #tpu.memory_space<vmem>>, vector<16xi32>,
      %broadcast_in_dim3A = arith.constant true
      %broadcast_in_dim3A_267 = vector.broadcast %broadcast_in_dim3A : i1 to vector<16xi1>
      %masked_cumsum3A = tpu.scan <sum>, %get3A_266 masked %broadcast_in_dim3A_267 : vector<16xi32>, vector<16xi1> -> vector<16xi32>
      %add3A_268 = vector.broadcast %scan3A_261 : i32 to vector<16xi32>
      %add3A_269 = arith.addi %masked_cumsum3A, %add3A_268 : vector<16xi32>
      %sub3A = arith.subi %add3A_269, %get3A_266 : vector<16xi32>
      %swap3A = arith.index_cast %add3A_265 : i32 to index
      %swap3A_270 = tpu.vector_load %arg10[%swap3A] {strides = array<i32>} : memref<5120xi32, #tpu.memory_space<vmem>>, vector<16xi32>,
      tpu.vector_store %arg10[%swap3A], %sub3A {strides = array<i32>} : memref<5120xi32, #tpu.memory_space<vmem>>, vector<16xi32>,
      %reduce_sum3A = arith.constant true
      %reduce_sum3A_271 = vector.broadcast %reduce_sum3A : i1 to vector<16xi1>
      %reduce_sum3A_272 = tpu.scan <sum>, %get3A_266 masked %reduce_sum3A_271 : vector<16xi32>, vector<16xi1> -> vector<16xi32>
      %reduce_sum3A_273 = vector.extract %reduce_sum3A_272[15] : i32 from vector<16xi32>
      %add3A_274 = arith.addi %scan3A_261, %reduce_sum3A_273 : i32
      scf.yield %add3A_274 : i32
    }
    %scan3A_27 = arith.constant 128 : i32
    %scan3A_28 = arith.constant 0 : i32
    %scan3A_29 = arith.constant 0 : i32
    %scan3A_30 = arith.constant 64 : i32
    %scan3A_31 = arith.addi %scan3A_29, %scan3A_30 : i32
    %scan3A_32 = arith.constant 1 : i32
    %scan3A_33 = scf.for %scan3A_260 = %scan3A_29 to %scan3A_31 step %scan3A_32 iter_args(%scan3A_261 = %scan3A_28) -> (i32)  : i32 {
      %mul3A_262 = arith.constant 16 : i32
      %mul3A_263 = arith.muli %scan3A_260, %mul3A_262 : i32
      %add3A_264 = arith.constant 4096 : i32
      %add3A_265 = arith.addi %add3A_264, %mul3A_263 : i32
      %get3A = arith.index_cast %add3A_265 : i32 to index
      %get3A_266 = tpu.vector_load %arg10[%get3A] {strides = array<i32>} : memref<5120xi32, #tpu.memory_space<vmem>>, vector<16xi32>,
      %broadcast_in_dim3A = arith.constant true
      %broadcast_in_dim3A_267 = vector.broadcast %broadcast_in_dim3A : i1 to vector<16xi1>
      %masked_cumsum3A = tpu.scan <sum>, %get3A_266 masked %broadcast_in_dim3A_267 : vector<16xi32>, vector<16xi1> -> vector<16xi32>
      %add3A_268 = vector.broadcast %scan3A_261 : i32 to vector<16xi32>
      %add3A_269 = arith.addi %masked_cumsum3A, %add3A_268 : vector<16xi32>
      %sub3A = arith.subi %add3A_269, %get3A_266 : vector<16xi32>
      %swap3A = arith.index_cast %add3A_265 : i32 to index
      %swap3A_270 = tpu.vector_load %arg10[%swap3A] {strides = array<i32>} : memref<5120xi32, #tpu.memory_space<vmem>>, vector<16xi32>,
      tpu.vector_store %arg10[%swap3A], %sub3A {strides = array<i32>} : memref<5120xi32, #tpu.memory_space<vmem>>, vector<16xi32>,
      %reduce_sum3A = arith.constant true
      %reduce_sum3A_271 = vector.broadcast %reduce_sum3A : i1 to vector<16xi1>
      %reduce_sum3A_272 = tpu.scan <sum>, %get3A_266 masked %reduce_sum3A_271 : vector<16xi32>, vector<16xi1> -> vector<16xi32>
      %reduce_sum3A_273 = vector.extract %reduce_sum3A_272[15] : i32 from vector<16xi32>
      %add3A_274 = arith.addi %scan3A_261, %reduce_sum3A_273 : i32
      scf.yield %add3A_274 : i32
    }
    %scan3A_34 = arith.constant 64 : i32
    %scan3A_35 = arith.constant 0 : i32
    %scan3A_36 = arith.constant 0 : i32
    %scan3A_37 = arith.constant 512 : i32
    %scan3A_38 = arith.addi %scan3A_36, %scan3A_37 : i32
    %scan3A_39 = arith.constant 2 : i32
    %scan3A_40 = scf.for %scan3A_260 = %scan3A_36 to %scan3A_38 step %scan3A_39 iter_args(%scan3A_261 = %scan3A_35) -> (i32)  : i32 {
      %mul3A_262 = arith.constant 16 : i32
      %mul3A_263 = arith.muli %scan3A_260, %mul3A_262 : i32
      %get3A = arith.index_cast %mul3A_263 : i32 to index
      %get3A_264 = tpu.vector_load %arg6[%get3A] {strides = array<i32>} : memref<8192xi32, #tpu.memory_space<vmem>>, vector<16xi32>,
      %mul3A_265 = arith.constant 16 : i32
      %mul3A_266 = arith.muli %scan3A_260, %mul3A_265 : i32
      %get3A_267 = arith.index_cast %mul3A_266 : i32 to index
      %get3A_268 = tpu.vector_load %arg7[%get3A_267] {strides = array<i32>} : memref<8192xi32, #tpu.memory_space<vmem>>, vector<16xi32>,
      %and3A = arith.constant 2047 : i32
      %and3A_269 = vector.broadcast %and3A : i32 to vector<16xi32>
      %and3A_270 = arith.andi %get3A_264, %and3A_269 : vector<16xi32>
      %broadcast_in_dim3A = arith.constant true
      %broadcast_in_dim3A_271 = vector.broadcast %broadcast_in_dim3A : i1 to vector<16xi1>
      %unique3A, %unique3A_272 = tpu.scan_count mask(%broadcast_in_dim3A_271 : vector<16xi1>) value(%and3A_270 : vector<16xi32>) : vector<16xi1>, vector<16xi32>
      %gather3A = tpu.vector_load_idx %arg10[%and3A_270] : memref<5120xi32, #tpu.memory_space<vmem>>[vector<16xi32>], vector<16xi32>,
      %add3A_273 = arith.addi %gather3A, %unique3A_272 : vector<16xi32>
      %sub3A = arith.constant 1 : i32
      %sub3A_274 = vector.broadcast %sub3A : i32 to vector<16xi32>
      %sub3A_275 = arith.subi %add3A_273, %sub3A_274 : vector<16xi32>
      tpu.vector_store_idx %arg8[%sub3A_275], %get3A_264 : memref<8192xi32, #tpu.memory_space<vmem>>[vector<16xi32>], vector<16xi32>,
      tpu.vector_store_idx %arg9[%sub3A_275], %get3A_268 : memref<8192xi32, #tpu.memory_space<vmem>>[vector<16xi32>], vector<16xi32>,
      tpu.vector_store_idx %arg10[%and3A_270], %unique3A_272 masked %unique3A {add = true} : memref<5120xi32, #tpu.memory_space<vmem>>[vector<16xi32>], vector<16xi32>, vector<16xi1>
      %scan3A_276 = arith.constant 0 : i32
      %scan3A_277 = arith.constant 1 : i32
      %scan3A_278 = arith.addi %scan3A_260, %scan3A_277 : i32
      %mul3A_279 = arith.constant 16 : i32
      %mul3A_280 = arith.muli %scan3A_278, %mul3A_279 : i32
      %get3A_281 = arith.index_cast %mul3A_280 : i32 to index
      %get3A_282 = tpu.vector_load %arg6[%get3A_281] {strides = array<i32>} : memref<8192xi32, #tpu.memory_space<vmem>>, vector<16xi32>,
      %mul3A_283 = arith.constant 16 : i32
      %mul3A_284 = arith.muli %scan3A_278, %mul3A_283 : i32
      %get3A_285 = arith.index_cast %mul3A_284 : i32 to index
      %get3A_286 = tpu.vector_load %arg7[%get3A_285] {strides = array<i32>} : memref<8192xi32, #tpu.memory_space<vmem>>, vector<16xi32>,
      %and3A_287 = arith.constant 2047 : i32
      %and3A_288 = vector.broadcast %and3A_287 : i32 to vector<16xi32>
      %and3A_289 = arith.andi %get3A_282, %and3A_288 : vector<16xi32>
      %broadcast_in_dim3A_290 = arith.constant true
      %broadcast_in_dim3A_291 = vector.broadcast %broadcast_in_dim3A_290 : i1 to vector<16xi1>
      %unique3A_292, %unique3A_293 = tpu.scan_count mask(%broadcast_in_dim3A_291 : vector<16xi1>) value(%and3A_289 : vector<16xi32>) : vector<16xi1>, vector<16xi32>
      %gather3A_294 = tpu.vector_load_idx %arg10[%and3A_289] : memref<5120xi32, #tpu.memory_space<vmem>>[vector<16xi32>], vector<16xi32>,
      %add3A_295 = arith.addi %gather3A_294, %unique3A_293 : vector<16xi32>
      %sub3A_296 = arith.constant 1 : i32
      %sub3A_297 = vector.broadcast %sub3A_296 : i32 to vector<16xi32>
      %sub3A_298 = arith.subi %add3A_295, %sub3A_297 : vector<16xi32>
      tpu.vector_store_idx %arg8[%sub3A_298], %get3A_282 : memref<8192xi32, #tpu.memory_space<vmem>>[vector<16xi32>], vector<16xi32>,
      tpu.vector_store_idx %arg9[%sub3A_298], %get3A_286 : memref<8192xi32, #tpu.memory_space<vmem>>[vector<16xi32>], vector<16xi32>,
      tpu.vector_store_idx %arg10[%and3A_289], %unique3A_293 masked %unique3A_292 {add = true} : memref<5120xi32, #tpu.memory_space<vmem>>[vector<16xi32>], vector<16xi32>, vector<16xi1>
      %scan3A_299 = arith.constant 0 : i32
      scf.yield %scan3A_299 : i32
    }
    %scan3A_41 = arith.constant 512 : i32
    %scan3A_42 = arith.constant 0 : i32
    %scan3A_43 = arith.constant 0 : i32
    %scan3A_44 = arith.constant 512 : i32
    %scan3A_45 = arith.addi %scan3A_43, %scan3A_44 : i32
    %scan3A_46 = arith.constant 2 : i32
    %scan3A_47 = scf.for %scan3A_260 = %scan3A_43 to %scan3A_45 step %scan3A_46 iter_args(%scan3A_261 = %scan3A_42) -> (i32)  : i32 {
      %mul3A_262 = arith.constant 16 : i32
      %mul3A_263 = arith.muli %scan3A_260, %mul3A_262 : i32
      %get3A = arith.index_cast %mul3A_263 : i32 to index
      %get3A_264 = tpu.vector_load %arg8[%get3A] {strides = array<i32>} : memref<8192xi32, #tpu.memory_space<vmem>>, vector<16xi32>,
      %mul3A_265 = arith.constant 16 : i32
      %mul3A_266 = arith.muli %scan3A_260, %mul3A_265 : i32
      %get3A_267 = arith.index_cast %mul3A_266 : i32 to index
      %get3A_268 = tpu.vector_load %arg9[%get3A_267] {strides = array<i32>} : memref<8192xi32, #tpu.memory_space<vmem>>, vector<16xi32>,
      %shift_right_logical3A = arith.constant 11 : i32
      %shift_right_logical3A_269 = vector.broadcast %shift_right_logical3A : i32 to vector<16xi32>
      %shift_right_logical3A_270 = arith.shrui %get3A_264, %shift_right_logical3A_269 : vector<16xi32>
      %and3A = arith.constant 2047 : i32
      %and3A_271 = vector.broadcast %and3A : i32 to vector<16xi32>
      %and3A_272 = arith.andi %shift_right_logical3A_270, %and3A_271 : vector<16xi32>
      %add3A_273 = arith.constant 2048 : i32
      %add3A_274 = vector.broadcast %add3A_273 : i32 to vector<16xi32>
      %add3A_275 = arith.addi %and3A_272, %add3A_274 : vector<16xi32>
      %broadcast_in_dim3A = arith.constant true
      %broadcast_in_dim3A_276 = vector.broadcast %broadcast_in_dim3A : i1 to vector<16xi1>
      %unique3A, %unique3A_277 = tpu.scan_count mask(%broadcast_in_dim3A_276 : vector<16xi1>) value(%add3A_275 : vector<16xi32>) : vector<16xi1>, vector<16xi32>
      %gather3A = tpu.vector_load_idx %arg10[%add3A_275] : memref<5120xi32, #tpu.memory_space<vmem>>[vector<16xi32>], vector<16xi32>,
      %add3A_278 = arith.addi %gather3A, %unique3A_277 : vector<16xi32>
      %sub3A = arith.constant 1 : i32
      %sub3A_279 = vector.broadcast %sub3A : i32 to vector<16xi32>
      %sub3A_280 = arith.subi %add3A_278, %sub3A_279 : vector<16xi32>
      tpu.vector_store_idx %arg6[%sub3A_280], %get3A_264 : memref<8192xi32, #tpu.memory_space<vmem>>[vector<16xi32>], vector<16xi32>,
      tpu.vector_store_idx %arg7[%sub3A_280], %get3A_268 : memref<8192xi32, #tpu.memory_space<vmem>>[vector<16xi32>], vector<16xi32>,
      tpu.vector_store_idx %arg10[%add3A_275], %unique3A_277 masked %unique3A {add = true} : memref<5120xi32, #tpu.memory_space<vmem>>[vector<16xi32>], vector<16xi32>, vector<16xi1>
      %scan3A_281 = arith.constant 0 : i32
      %scan3A_282 = arith.constant 1 : i32
      %scan3A_283 = arith.addi %scan3A_260, %scan3A_282 : i32
      %mul3A_284 = arith.constant 16 : i32
      %mul3A_285 = arith.muli %scan3A_283, %mul3A_284 : i32
      %get3A_286 = arith.index_cast %mul3A_285 : i32 to index
      %get3A_287 = tpu.vector_load %arg8[%get3A_286] {strides = array<i32>} : memref<8192xi32, #tpu.memory_space<vmem>>, vector<16xi32>,
      %mul3A_288 = arith.constant 16 : i32
      %mul3A_289 = arith.muli %scan3A_283, %mul3A_288 : i32
      %get3A_290 = arith.index_cast %mul3A_289 : i32 to index
      %get3A_291 = tpu.vector_load %arg9[%get3A_290] {strides = array<i32>} : memref<8192xi32, #tpu.memory_space<vmem>>, vector<16xi32>,
      %shift_right_logical3A_292 = arith.constant 11 : i32
      %shift_right_logical3A_293 = vector.broadcast %shift_right_logical3A_292 : i32 to vector<16xi32>
      %shift_right_logical3A_294 = arith.shrui %get3A_287, %shift_right_logical3A_293 : vector<16xi32>
      %and3A_295 = arith.constant 2047 : i32
      %and3A_296 = vector.broadcast %and3A_295 : i32 to vector<16xi32>
      %and3A_297 = arith.andi %shift_right_logical3A_294, %and3A_296 : vector<16xi32>
      %add3A_298 = arith.constant 2048 : i32
      %add3A_299 = vector.broadcast %add3A_298 : i32 to vector<16xi32>
      %add3A_300 = arith.addi %and3A_297, %add3A_299 : vector<16xi32>
      %broadcast_in_dim3A_301 = arith.constant true
      %broadcast_in_dim3A_302 = vector.broadcast %broadcast_in_dim3A_301 : i1 to vector<16xi1>
      %unique3A_303, %unique3A_304 = tpu.scan_count mask(%broadcast_in_dim3A_302 : vector<16xi1>) value(%add3A_300 : vector<16xi32>) : vector<16xi1>, vector<16xi32>
      %gather3A_305 = tpu.vector_load_idx %arg10[%add3A_300] : memref<5120xi32, #tpu.memory_space<vmem>>[vector<16xi32>], vector<16xi32>,
      %add3A_306 = arith.addi %gather3A_305, %unique3A_304 : vector<16xi32>
      %sub3A_307 = arith.constant 1 : i32
      %sub3A_308 = vector.broadcast %sub3A_307 : i32 to vector<16xi32>
      %sub3A_309 = arith.subi %add3A_306, %sub3A_308 : vector<16xi32>
      tpu.vector_store_idx %arg6[%sub3A_309], %get3A_287 : memref<8192xi32, #tpu.memory_space<vmem>>[vector<16xi32>], vector<16xi32>,
      tpu.vector_store_idx %arg7[%sub3A_309], %get3A_291 : memref<8192xi32, #tpu.memory_space<vmem>>[vector<16xi32>], vector<16xi32>,
      tpu.vector_store_idx %arg10[%add3A_300], %unique3A_304 masked %unique3A_303 {add = true} : memref<5120xi32, #tpu.memory_space<vmem>>[vector<16xi32>], vector<16xi32>, vector<16xi1>
      %scan3A_310 = arith.constant 0 : i32
      scf.yield %scan3A_310 : i32
    }
    %scan3A_48 = arith.constant 512 : i32
    %scan3A_49 = arith.constant 0 : i32
    %scan3A_50 = arith.constant 0 : i32
    %scan3A_51 = arith.constant 512 : i32
    %scan3A_52 = arith.addi %scan3A_50, %scan3A_51 : i32
    %scan3A_53 = arith.constant 2 : i32
    %scan3A_54 = scf.for %scan3A_260 = %scan3A_50 to %scan3A_52 step %scan3A_53 iter_args(%scan3A_261 = %scan3A_49) -> (i32)  : i32 {
      %mul3A_262 = arith.constant 16 : i32
      %mul3A_263 = arith.muli %scan3A_260, %mul3A_262 : i32
      %get3A = arith.index_cast %mul3A_263 : i32 to index
      %get3A_264 = tpu.vector_load %arg6[%get3A] {strides = array<i32>} : memref<8192xi32, #tpu.memory_space<vmem>>, vector<16xi32>,
      %mul3A_265 = arith.constant 16 : i32
      %mul3A_266 = arith.muli %scan3A_260, %mul3A_265 : i32
      %get3A_267 = arith.index_cast %mul3A_266 : i32 to index
      %get3A_268 = tpu.vector_load %arg7[%get3A_267] {strides = array<i32>} : memref<8192xi32, #tpu.memory_space<vmem>>, vector<16xi32>,
      %shift_right_logical3A = arith.constant 22 : i32
      %shift_right_logical3A_269 = vector.broadcast %shift_right_logical3A : i32 to vector<16xi32>
      %shift_right_logical3A_270 = arith.shrui %get3A_264, %shift_right_logical3A_269 : vector<16xi32>
      %add3A_271 = arith.constant 4096 : i32
      %add3A_272 = vector.broadcast %add3A_271 : i32 to vector<16xi32>
      %add3A_273 = arith.addi %shift_right_logical3A_270, %add3A_272 : vector<16xi32>
      %broadcast_in_dim3A = arith.constant true
      %broadcast_in_dim3A_274 = vector.broadcast %broadcast_in_dim3A : i1 to vector<16xi1>
      %unique3A, %unique3A_275 = tpu.scan_count mask(%broadcast_in_dim3A_274 : vector<16xi1>) value(%add3A_273 : vector<16xi32>) : vector<16xi1>, vector<16xi32>
      %gather3A = tpu.vector_load_idx %arg10[%add3A_273] : memref<5120xi32, #tpu.memory_space<vmem>>[vector<16xi32>], vector<16xi32>,
      %add3A_276 = arith.addi %gather3A, %unique3A_275 : vector<16xi32>
      %sub3A = arith.constant 1 : i32
      %sub3A_277 = vector.broadcast %sub3A : i32 to vector<16xi32>
      %sub3A_278 = arith.subi %add3A_276, %sub3A_277 : vector<16xi32>
      %shift_right_arithmetic3A = arith.constant 31 : i32
      %shift_right_arithmetic3A_279 = vector.broadcast %shift_right_arithmetic3A : i32 to vector<16xi32>
      %shift_right_arithmetic3A_280 = arith.shrsi %get3A_264, %shift_right_arithmetic3A_279 : vector<16xi32>
      %not3A = arith.constant dense<-1> : vector<16xi32>
      %not3A_281 = arith.xori %shift_right_arithmetic3A_280, %not3A : vector<16xi32>
      %and3A = arith.constant 2147483647 : i32
      %and3A_282 = vector.broadcast %and3A : i32 to vector<16xi32>
      %and3A_283 = arith.andi %not3A_281, %and3A_282 : vector<16xi32>
      %or3A = arith.constant -2147483648 : i32
      %or3A_284 = vector.broadcast %or3A : i32 to vector<16xi32>
      %or3A_285 = arith.ori %or3A_284, %and3A_283 : vector<16xi32>
      %xor3A = arith.xori %get3A_264, %or3A_285 : vector<16xi32>
      %bitcast_convert_type3A = tpu.bitcast %xor3A : vector<16xi32> -> vector<16xf32>
      tpu.vector_store_idx %arg11[%sub3A_278], %bitcast_convert_type3A : memref<8192xf32, #tpu.memory_space<vmem>>[vector<16xi32>], vector<16xf32>,
      %mul3A_286 = arith.constant 8192 : i32
      %mul3A_287 = arith.muli %add3A, %mul3A_286 : i32
      %add3A_288 = vector.broadcast %mul3A_287 : i32 to vector<16xi32>
      %add3A_289 = arith.addi %get3A_268, %add3A_288 : vector<16xi32>
      tpu.vector_store_idx %arg9[%sub3A_278], %add3A_289 : memref<8192xi32, #tpu.memory_space<vmem>>[vector<16xi32>], vector<16xi32>,
      tpu.vector_store_idx %arg10[%add3A_273], %unique3A_275 masked %unique3A {add = true} : memref<5120xi32, #tpu.memory_space<vmem>>[vector<16xi32>], vector<16xi32>, vector<16xi1>
      %scan3A_290 = arith.constant 0 : i32
      %scan3A_291 = arith.constant 1 : i32
      %scan3A_292 = arith.addi %scan3A_260, %scan3A_291 : i32
      %mul3A_293 = arith.constant 16 : i32
      %mul3A_294 = arith.muli %scan3A_292, %mul3A_293 : i32
      %get3A_295 = arith.index_cast %mul3A_294 : i32 to index
      %get3A_296 = tpu.vector_load %arg6[%get3A_295] {strides = array<i32>} : memref<8192xi32, #tpu.memory_space<vmem>>, vector<16xi32>,
      %mul3A_297 = arith.constant 16 : i32
      %mul3A_298 = arith.muli %scan3A_292, %mul3A_297 : i32
      %get3A_299 = arith.index_cast %mul3A_298 : i32 to index
      %get3A_300 = tpu.vector_load %arg7[%get3A_299] {strides = array<i32>} : memref<8192xi32, #tpu.memory_space<vmem>>, vector<16xi32>,
      %shift_right_logical3A_301 = arith.constant 22 : i32
      %shift_right_logical3A_302 = vector.broadcast %shift_right_logical3A_301 : i32 to vector<16xi32>
      %shift_right_logical3A_303 = arith.shrui %get3A_296, %shift_right_logical3A_302 : vector<16xi32>
      %add3A_304 = arith.constant 4096 : i32
      %add3A_305 = vector.broadcast %add3A_304 : i32 to vector<16xi32>
      %add3A_306 = arith.addi %shift_right_logical3A_303, %add3A_305 : vector<16xi32>
      %broadcast_in_dim3A_307 = arith.constant true
      %broadcast_in_dim3A_308 = vector.broadcast %broadcast_in_dim3A_307 : i1 to vector<16xi1>
      %unique3A_309, %unique3A_310 = tpu.scan_count mask(%broadcast_in_dim3A_308 : vector<16xi1>) value(%add3A_306 : vector<16xi32>) : vector<16xi1>, vector<16xi32>
      %gather3A_311 = tpu.vector_load_idx %arg10[%add3A_306] : memref<5120xi32, #tpu.memory_space<vmem>>[vector<16xi32>], vector<16xi32>,
      %add3A_312 = arith.addi %gather3A_311, %unique3A_310 : vector<16xi32>
      %sub3A_313 = arith.constant 1 : i32
      %sub3A_314 = vector.broadcast %sub3A_313 : i32 to vector<16xi32>
      %sub3A_315 = arith.subi %add3A_312, %sub3A_314 : vector<16xi32>
      %shift_right_arithmetic3A_316 = arith.constant 31 : i32
      %shift_right_arithmetic3A_317 = vector.broadcast %shift_right_arithmetic3A_316 : i32 to vector<16xi32>
      %shift_right_arithmetic3A_318 = arith.shrsi %get3A_296, %shift_right_arithmetic3A_317 : vector<16xi32>
      %not3A_319 = arith.constant dense<-1> : vector<16xi32>
      %not3A_320 = arith.xori %shift_right_arithmetic3A_318, %not3A_319 : vector<16xi32>
      %and3A_321 = arith.constant 2147483647 : i32
      %and3A_322 = vector.broadcast %and3A_321 : i32 to vector<16xi32>
      %and3A_323 = arith.andi %not3A_320, %and3A_322 : vector<16xi32>
      %or3A_324 = arith.constant -2147483648 : i32
      %or3A_325 = vector.broadcast %or3A_324 : i32 to vector<16xi32>
      %or3A_326 = arith.ori %or3A_325, %and3A_323 : vector<16xi32>
      %xor3A_327 = arith.xori %get3A_296, %or3A_326 : vector<16xi32>
      %bitcast_convert_type3A_328 = tpu.bitcast %xor3A_327 : vector<16xi32> -> vector<16xf32>
      tpu.vector_store_idx %arg11[%sub3A_315], %bitcast_convert_type3A_328 : memref<8192xf32, #tpu.memory_space<vmem>>[vector<16xi32>], vector<16xf32>,
      %mul3A_329 = arith.constant 8192 : i32
      %mul3A_330 = arith.muli %add3A, %mul3A_329 : i32
      %add3A_331 = vector.broadcast %mul3A_330 : i32 to vector<16xi32>
      %add3A_332 = arith.addi %get3A_300, %add3A_331 : vector<16xi32>
      tpu.vector_store_idx %arg9[%sub3A_315], %add3A_332 : memref<8192xi32, #tpu.memory_space<vmem>>[vector<16xi32>], vector<16xi32>,
      tpu.vector_store_idx %arg10[%add3A_306], %unique3A_310 masked %unique3A_309 {add = true} : memref<5120xi32, #tpu.memory_space<vmem>>[vector<16xi32>], vector<16xi32>, vector<16xi1>
      %scan3A_333 = arith.constant 0 : i32
      scf.yield %scan3A_333 : i32
    }
    %scan3A_55 = arith.constant 512 : i32
    "tpu.region"() ({
      %run_scoped3A_260 = tpu.sem_alloc : memref<!tpu.dma_semaphore, #tpu.memory_space<semaphore_mem>>
      %dma_start3A_261 = arith.constant 0 : i32
      %dma_start3A_262 = tpu.memref_slice %arg5[%add3A, %dma_start3A_261] : memref<32x8192xf32, #tpu.memory_space<hbm>> -> memref<1x8192xf32, #tpu.memory_space<hbm>>
      %dma_start3A_263 = tpu.memref_squeeze %dma_start3A_262 : memref<1x8192xf32, #tpu.memory_space<hbm>> -> memref<8192xf32, #tpu.memory_space<hbm>>
      %dma_start3A_264 = arith.constant 0 : i32
      %dma_start3A_265 = tpu.memref_slice %arg5[%add3A, %dma_start3A_264] : memref<32x8192xf32, #tpu.memory_space<hbm>> -> memref<1x8192xf32, #tpu.memory_space<hbm>>
      %dma_start3A_266 = tpu.memref_squeeze %dma_start3A_265 : memref<1x8192xf32, #tpu.memory_space<hbm>> -> memref<8192xf32, #tpu.memory_space<hbm>>
      tpu.enqueue_dma source(%arg11 : memref<8192xf32, #tpu.memory_space<vmem>>) target(%dma_start3A_266 : memref<8192xf32, #tpu.memory_space<hbm>>) target_semaphore(%run_scoped3A_260 : memref<!tpu.dma_semaphore, #tpu.memory_space<semaphore_mem>>)
      %dma_wait3A_267 = arith.constant 0 : i32
      %dma_wait3A_268 = tpu.memref_slice %arg5[%add3A, %dma_wait3A_267] : memref<32x8192xf32, #tpu.memory_space<hbm>> -> memref<1x8192xf32, #tpu.memory_space<hbm>>
      %dma_wait3A_269 = tpu.memref_squeeze %dma_wait3A_268 : memref<1x8192xf32, #tpu.memory_space<hbm>> -> memref<8192xf32, #tpu.memory_space<hbm>>
      %dma_wait3A_270 = arith.constant 0 : i32
      %dma_wait3A_271 = tpu.memref_slice %arg5[%add3A, %dma_wait3A_270] : memref<32x8192xf32, #tpu.memory_space<hbm>> -> memref<1x8192xf32, #tpu.memory_space<hbm>>
      %dma_wait3A_272 = tpu.memref_squeeze %dma_wait3A_271 : memref<1x8192xf32, #tpu.memory_space<hbm>> -> memref<8192xf32, #tpu.memory_space<hbm>>
      tpu.wait_dma2 semaphore(%run_scoped3A_260 : memref<!tpu.dma_semaphore, #tpu.memory_space<semaphore_mem>>) src(%arg11 : memref<8192xf32, #tpu.memory_space<vmem>>) dst(%dma_wait3A_272 : memref<8192xf32, #tpu.memory_space<hbm>>)
      tpu.yield
    }) : () -> ()
    %dma_start3A = arith.constant 0 : i32
    %dma_start3A_56 = arith.constant 0 : i32
    %dma_start3A_57 = arith.constant 0 : i32
    %dma_start3A_58 = tpu.memref_slice %arg12[%dma_start3A, %dma_start3A_56, %dma_start3A_57] : memref<8x64x128xf32, #tpu.memory_space<vmem>> -> memref<1x64x128xf32, #tpu.memory_space<vmem>>
    %dma_start3A_59 = tpu.memref_squeeze %dma_start3A_58 : memref<1x64x128xf32, #tpu.memory_space<vmem>> -> memref<64x128xf32, #tpu.memory_space<vmem>>
    %dma_start3A_60 = arith.constant 0 : i32
    %dma_start3A_61 = tpu.memref_slice %arg9[%dma_start3A_60] : memref<8192xi32, #tpu.memory_space<vmem>> -> memref<64xi32, #tpu.memory_space<vmem>>
    %dma_start3A_62 = arith.constant 0 : i32
    %dma_start3A_63 = arith.constant 0 : i32
    %dma_start3A_64 = tpu.memref_slice %arg2[%dma_start3A_62, %dma_start3A_63] : memref<262144x128xf32, #tpu.memory_space<hbm>> -> memref<262144x128xf32, #tpu.memory_space<hbm>>
    tpu.enqueue_indirect_dma source(%dma_start3A_64 : memref<262144x128xf32, #tpu.memory_space<hbm>>) target(%dma_start3A_59 : memref<64x128xf32, #tpu.memory_space<vmem>>) offsets(%dma_start3A_61 : memref<64xi32, #tpu.memory_space<vmem>>) semaphore(%arg13 : memref<!tpu.dma_semaphore, #tpu.memory_space<semaphore_mem>>)
    %dma_start3A_65 = arith.constant 1 : i32
    %dma_start3A_66 = arith.constant 0 : i32
    %dma_start3A_67 = arith.constant 0 : i32
    %dma_start3A_68 = tpu.memref_slice %arg12[%dma_start3A_65, %dma_start3A_66, %dma_start3A_67] : memref<8x64x128xf32, #tpu.memory_space<vmem>> -> memref<1x64x128xf32, #tpu.memory_space<vmem>>
    %dma_start3A_69 = tpu.memref_squeeze %dma_start3A_68 : memref<1x64x128xf32, #tpu.memory_space<vmem>> -> memref<64x128xf32, #tpu.memory_space<vmem>>
    %dma_start3A_70 = arith.constant 64 : i32
    %dma_start3A_71 = tpu.memref_slice %arg9[%dma_start3A_70] : memref<8192xi32, #tpu.memory_space<vmem>> -> memref<64xi32, #tpu.memory_space<vmem>>
    %dma_start3A_72 = arith.constant 0 : i32
    %dma_start3A_73 = arith.constant 0 : i32
    %dma_start3A_74 = tpu.memref_slice %arg2[%dma_start3A_72, %dma_start3A_73] : memref<262144x128xf32, #tpu.memory_space<hbm>> -> memref<262144x128xf32, #tpu.memory_space<hbm>>
    tpu.enqueue_indirect_dma source(%dma_start3A_74 : memref<262144x128xf32, #tpu.memory_space<hbm>>) target(%dma_start3A_69 : memref<64x128xf32, #tpu.memory_space<vmem>>) offsets(%dma_start3A_71 : memref<64xi32, #tpu.memory_space<vmem>>) semaphore(%arg14 : memref<!tpu.dma_semaphore, #tpu.memory_space<semaphore_mem>>)
    %dma_start3A_75 = arith.constant 2 : i32
    %dma_start3A_76 = arith.constant 0 : i32
    %dma_start3A_77 = arith.constant 0 : i32
    %dma_start3A_78 = tpu.memref_slice %arg12[%dma_start3A_75, %dma_start3A_76, %dma_start3A_77] : memref<8x64x128xf32, #tpu.memory_space<vmem>> -> memref<1x64x128xf32, #tpu.memory_space<vmem>>
    %dma_start3A_79 = tpu.memref_squeeze %dma_start3A_78 : memref<1x64x128xf32, #tpu.memory_space<vmem>> -> memref<64x128xf32, #tpu.memory_space<vmem>>
    %dma_start3A_80 = arith.constant 128 : i32
    %dma_start3A_81 = tpu.memref_slice %arg9[%dma_start3A_80] : memref<8192xi32, #tpu.memory_space<vmem>> -> memref<64xi32, #tpu.memory_space<vmem>>
    %dma_start3A_82 = arith.constant 0 : i32
    %dma_start3A_83 = arith.constant 0 : i32
    %dma_start3A_84 = tpu.memref_slice %arg2[%dma_start3A_82, %dma_start3A_83] : memref<262144x128xf32, #tpu.memory_space<hbm>> -> memref<262144x128xf32, #tpu.memory_space<hbm>>
    tpu.enqueue_indirect_dma source(%dma_start3A_84 : memref<262144x128xf32, #tpu.memory_space<hbm>>) target(%dma_start3A_79 : memref<64x128xf32, #tpu.memory_space<vmem>>) offsets(%dma_start3A_81 : memref<64xi32, #tpu.memory_space<vmem>>) semaphore(%arg15 : memref<!tpu.dma_semaphore, #tpu.memory_space<semaphore_mem>>)
    %dma_start3A_85 = arith.constant 3 : i32
    %dma_start3A_86 = arith.constant 0 : i32
    %dma_start3A_87 = arith.constant 0 : i32
    %dma_start3A_88 = tpu.memref_slice %arg12[%dma_start3A_85, %dma_start3A_86, %dma_start3A_87] : memref<8x64x128xf32, #tpu.memory_space<vmem>> -> memref<1x64x128xf32, #tpu.memory_space<vmem>>
    %dma_start3A_89 = tpu.memref_squeeze %dma_start3A_88 : memref<1x64x128xf32, #tpu.memory_space<vmem>> -> memref<64x128xf32, #tpu.memory_space<vmem>>
    %dma_start3A_90 = arith.constant 192 : i32
    %dma_start3A_91 = tpu.memref_slice %arg9[%dma_start3A_90] : memref<8192xi32, #tpu.memory_space<vmem>> -> memref<64xi32, #tpu.memory_space<vmem>>
    %dma_start3A_92 = arith.constant 0 : i32
    %dma_start3A_93 = arith.constant 0 : i32
    %dma_start3A_94 = tpu.memref_slice %arg2[%dma_start3A_92, %dma_start3A_93] : memref<262144x128xf32, #tpu.memory_space<hbm>> -> memref<262144x128xf32, #tpu.memory_space<hbm>>
    tpu.enqueue_indirect_dma source(%dma_start3A_94 : memref<262144x128xf32, #tpu.memory_space<hbm>>) target(%dma_start3A_89 : memref<64x128xf32, #tpu.memory_space<vmem>>) offsets(%dma_start3A_91 : memref<64xi32, #tpu.memory_space<vmem>>) semaphore(%arg16 : memref<!tpu.dma_semaphore, #tpu.memory_space<semaphore_mem>>)
    %dma_start3A_95 = arith.constant 4 : i32
    %dma_start3A_96 = arith.constant 0 : i32
    %dma_start3A_97 = arith.constant 0 : i32
    %dma_start3A_98 = tpu.memref_slice %arg12[%dma_start3A_95, %dma_start3A_96, %dma_start3A_97] : memref<8x64x128xf32, #tpu.memory_space<vmem>> -> memref<1x64x128xf32, #tpu.memory_space<vmem>>
    %dma_start3A_99 = tpu.memref_squeeze %dma_start3A_98 : memref<1x64x128xf32, #tpu.memory_space<vmem>> -> memref<64x128xf32, #tpu.memory_space<vmem>>
    %dma_start3A_100 = arith.constant 256 : i32
    %dma_start3A_101 = tpu.memref_slice %arg9[%dma_start3A_100] : memref<8192xi32, #tpu.memory_space<vmem>> -> memref<64xi32, #tpu.memory_space<vmem>>
    %dma_start3A_102 = arith.constant 0 : i32
    %dma_start3A_103 = arith.constant 0 : i32
    %dma_start3A_104 = tpu.memref_slice %arg2[%dma_start3A_102, %dma_start3A_103] : memref<262144x128xf32, #tpu.memory_space<hbm>> -> memref<262144x128xf32, #tpu.memory_space<hbm>>
    tpu.enqueue_indirect_dma source(%dma_start3A_104 : memref<262144x128xf32, #tpu.memory_space<hbm>>) target(%dma_start3A_99 : memref<64x128xf32, #tpu.memory_space<vmem>>) offsets(%dma_start3A_101 : memref<64xi32, #tpu.memory_space<vmem>>) semaphore(%arg17 : memref<!tpu.dma_semaphore, #tpu.memory_space<semaphore_mem>>)
    %dma_start3A_105 = arith.constant 5 : i32
    %dma_start3A_106 = arith.constant 0 : i32
    %dma_start3A_107 = arith.constant 0 : i32
    %dma_start3A_108 = tpu.memref_slice %arg12[%dma_start3A_105, %dma_start3A_106, %dma_start3A_107] : memref<8x64x128xf32, #tpu.memory_space<vmem>> -> memref<1x64x128xf32, #tpu.memory_space<vmem>>
    %dma_start3A_109 = tpu.memref_squeeze %dma_start3A_108 : memref<1x64x128xf32, #tpu.memory_space<vmem>> -> memref<64x128xf32, #tpu.memory_space<vmem>>
    %dma_start3A_110 = arith.constant 320 : i32
    %dma_start3A_111 = tpu.memref_slice %arg9[%dma_start3A_110] : memref<8192xi32, #tpu.memory_space<vmem>> -> memref<64xi32, #tpu.memory_space<vmem>>
    %dma_start3A_112 = arith.constant 0 : i32
    %dma_start3A_113 = arith.constant 0 : i32
    %dma_start3A_114 = tpu.memref_slice %arg2[%dma_start3A_112, %dma_start3A_113] : memref<262144x128xf32, #tpu.memory_space<hbm>> -> memref<262144x128xf32, #tpu.memory_space<hbm>>
    tpu.enqueue_indirect_dma source(%dma_start3A_114 : memref<262144x128xf32, #tpu.memory_space<hbm>>) target(%dma_start3A_109 : memref<64x128xf32, #tpu.memory_space<vmem>>) offsets(%dma_start3A_111 : memref<64xi32, #tpu.memory_space<vmem>>) semaphore(%arg18 : memref<!tpu.dma_semaphore, #tpu.memory_space<semaphore_mem>>)
    %dma_start3A_115 = arith.constant 6 : i32
    %dma_start3A_116 = arith.constant 0 : i32
    %dma_start3A_117 = arith.constant 0 : i32
    %dma_start3A_118 = tpu.memref_slice %arg12[%dma_start3A_115, %dma_start3A_116, %dma_start3A_117] : memref<8x64x128xf32, #tpu.memory_space<vmem>> -> memref<1x64x128xf32, #tpu.memory_space<vmem>>
    %dma_start3A_119 = tpu.memref_squeeze %dma_start3A_118 : memref<1x64x128xf32, #tpu.memory_space<vmem>> -> memref<64x128xf32, #tpu.memory_space<vmem>>
    %dma_start3A_120 = arith.constant 384 : i32
    %dma_start3A_121 = tpu.memref_slice %arg9[%dma_start3A_120] : memref<8192xi32, #tpu.memory_space<vmem>> -> memref<64xi32, #tpu.memory_space<vmem>>
    %dma_start3A_122 = arith.constant 0 : i32
    %dma_start3A_123 = arith.constant 0 : i32
    %dma_start3A_124 = tpu.memref_slice %arg2[%dma_start3A_122, %dma_start3A_123] : memref<262144x128xf32, #tpu.memory_space<hbm>> -> memref<262144x128xf32, #tpu.memory_space<hbm>>
    tpu.enqueue_indirect_dma source(%dma_start3A_124 : memref<262144x128xf32, #tpu.memory_space<hbm>>) target(%dma_start3A_119 : memref<64x128xf32, #tpu.memory_space<vmem>>) offsets(%dma_start3A_121 : memref<64xi32, #tpu.memory_space<vmem>>) semaphore(%arg19 : memref<!tpu.dma_semaphore, #tpu.memory_space<semaphore_mem>>)
    %dma_start3A_125 = arith.constant 7 : i32
    %dma_start3A_126 = arith.constant 0 : i32
    %dma_start3A_127 = arith.constant 0 : i32
    %dma_start3A_128 = tpu.memref_slice %arg12[%dma_start3A_125, %dma_start3A_126, %dma_start3A_127] : memref<8x64x128xf32, #tpu.memory_space<vmem>> -> memref<1x64x128xf32, #tpu.memory_space<vmem>>
    %dma_start3A_129 = tpu.memref_squeeze %dma_start3A_128 : memref<1x64x128xf32, #tpu.memory_space<vmem>> -> memref<64x128xf32, #tpu.memory_space<vmem>>
    %dma_start3A_130 = arith.constant 448 : i32
    %dma_start3A_131 = tpu.memref_slice %arg9[%dma_start3A_130] : memref<8192xi32, #tpu.memory_space<vmem>> -> memref<64xi32, #tpu.memory_space<vmem>>
    %dma_start3A_132 = arith.constant 0 : i32
    %dma_start3A_133 = arith.constant 0 : i32
    %dma_start3A_134 = tpu.memref_slice %arg2[%dma_start3A_132, %dma_start3A_133] : memref<262144x128xf32, #tpu.memory_space<hbm>> -> memref<262144x128xf32, #tpu.memory_space<hbm>>
    tpu.enqueue_indirect_dma source(%dma_start3A_134 : memref<262144x128xf32, #tpu.memory_space<hbm>>) target(%dma_start3A_129 : memref<64x128xf32, #tpu.memory_space<vmem>>) offsets(%dma_start3A_131 : memref<64xi32, #tpu.memory_space<vmem>>) semaphore(%arg20 : memref<!tpu.dma_semaphore, #tpu.memory_space<semaphore_mem>>)
    %scan3A_135 = arith.constant 0 : i32
    %scan3A_136 = arith.constant 0 : i32
    %scan3A_137 = arith.constant 15 : i32
    %scan3A_138 = arith.addi %scan3A_136, %scan3A_137 : i32
    %scan3A_139 = arith.constant 1 : i32
    %scan3A_140 = scf.for %scan3A_260 = %scan3A_136 to %scan3A_138 step %scan3A_139 iter_args(%scan3A_261 = %scan3A_135) -> (i32)  : i32 {
      %mul3A_262 = arith.constant 8 : i32
      %mul3A_263 = arith.muli %mul3A_262, %scan3A_260 : i32
      %add3A_264 = arith.constant 0 : i32
      %add3A_265 = arith.addi %mul3A_263, %add3A_264 : i32
      %mul3A_266 = arith.constant 64 : i32
      %mul3A_267 = arith.muli %add3A_265, %mul3A_266 : i32
      %dma_wait3A_268 = arith.constant 0 : i32
      %dma_wait3A_269 = arith.constant 0 : i32
      %dma_wait3A_270 = arith.constant 0 : i32
      %dma_wait3A_271 = tpu.memref_slice %arg12[%dma_wait3A_268, %dma_wait3A_269, %dma_wait3A_270] : memref<8x64x128xf32, #tpu.memory_space<vmem>> -> memref<1x64x128xf32, #tpu.memory_space<vmem>>
      %dma_wait3A_272 = tpu.memref_squeeze %dma_wait3A_271 : memref<1x64x128xf32, #tpu.memory_space<vmem>> -> memref<64x128xf32, #tpu.memory_space<vmem>>
      %dma_wait3A_273 = tpu.memref_slice %arg9[%mul3A_267] : memref<8192xi32, #tpu.memory_space<vmem>> -> memref<64xi32, #tpu.memory_space<vmem>>
      %dma_wait3A_274 = arith.constant 0 : i32
      %dma_wait3A_275 = arith.constant 0 : i32
      %dma_wait3A_276 = tpu.memref_slice %arg2[%dma_wait3A_274, %dma_wait3A_275] : memref<262144x128xf32, #tpu.memory_space<hbm>> -> memref<262144x128xf32, #tpu.memory_space<hbm>>
      tpu.wait_indirect_dma semaphore(%arg13 : memref<!tpu.dma_semaphore, #tpu.memory_space<semaphore_mem>>) src(%dma_wait3A_276 : memref<262144x128xf32, #tpu.memory_space<hbm>>) dst(%dma_wait3A_272 : memref<64x128xf32, #tpu.memory_space<vmem>>)
      %add3A_277 = arith.constant 0 : i32
      %add3A_278 = arith.addi %mul3A_263, %add3A_277 : i32
      %mul3A_279 = arith.constant 8192 : i32
      %mul3A_280 = arith.muli %add3A, %mul3A_279 : i32
      %mul3A_281 = arith.constant 64 : i32
      %mul3A_282 = arith.muli %add3A_278, %mul3A_281 : i32
      %add3A_283 = arith.addi %mul3A_280, %mul3A_282 : i32
      %run_scoped3A_284 = arith.constant 0 : i32
      "tpu.region"() ({
        %run_scoped3A_553 = tpu.sem_alloc : memref<!tpu.dma_semaphore, #tpu.memory_space<semaphore_mem>>
        %dma_start3A_554 = arith.constant 0 : i32
        %dma_start3A_555 = arith.constant 0 : i32
        %dma_start3A_556 = tpu.memref_slice %arg12[%run_scoped3A_284, %dma_start3A_554, %dma_start3A_555] : memref<8x64x128xf32, #tpu.memory_space<vmem>> -> memref<1x64x128xf32, #tpu.memory_space<vmem>>
        %dma_start3A_557 = tpu.memref_squeeze %dma_start3A_556 : memref<1x64x128xf32, #tpu.memory_space<vmem>> -> memref<64x128xf32, #tpu.memory_space<vmem>>
        %dma_start3A_558 = arith.constant 0 : i32
        %dma_start3A_559 = tpu.memref_slice %arg4[%add3A_283, %dma_start3A_558] : memref<262144x128xf32, #tpu.memory_space<hbm>> -> memref<64x128xf32, #tpu.memory_space<hbm>>
        %dma_start3A_560 = arith.constant 0 : i32
        %dma_start3A_561 = tpu.memref_slice %arg4[%add3A_283, %dma_start3A_560] : memref<262144x128xf32, #tpu.memory_space<hbm>> -> memref<64x128xf32, #tpu.memory_space<hbm>>
        %dma_start3A_562 = arith.constant 0 : i32
        %dma_start3A_563 = arith.constant 0 : i32
        %dma_start3A_564 = tpu.memref_slice %arg12[%run_scoped3A_284, %dma_start3A_562, %dma_start3A_563] : memref<8x64x128xf32, #tpu.memory_space<vmem>> -> memref<1x64x128xf32, #tpu.memory_space<vmem>>
        %dma_start3A_565 = tpu.memref_squeeze %dma_start3A_564 : memref<1x64x128xf32, #tpu.memory_space<vmem>> -> memref<64x128xf32, #tpu.memory_space<vmem>>
        tpu.enqueue_dma source(%dma_start3A_565 : memref<64x128xf32, #tpu.memory_space<vmem>>) target(%dma_start3A_561 : memref<64x128xf32, #tpu.memory_space<hbm>>) target_semaphore(%run_scoped3A_553 : memref<!tpu.dma_semaphore, #tpu.memory_space<semaphore_mem>>)
        %dma_wait3A_566 = arith.constant 0 : i32
        %dma_wait3A_567 = arith.constant 0 : i32
        %dma_wait3A_568 = tpu.memref_slice %arg12[%run_scoped3A_284, %dma_wait3A_566, %dma_wait3A_567] : memref<8x64x128xf32, #tpu.memory_space<vmem>> -> memref<1x64x128xf32, #tpu.memory_space<vmem>>
        %dma_wait3A_569 = tpu.memref_squeeze %dma_wait3A_568 : memref<1x64x128xf32, #tpu.memory_space<vmem>> -> memref<64x128xf32, #tpu.memory_space<vmem>>
        %dma_wait3A_570 = arith.constant 0 : i32
        %dma_wait3A_571 = tpu.memref_slice %arg4[%add3A_283, %dma_wait3A_570] : memref<262144x128xf32, #tpu.memory_space<hbm>> -> memref<64x128xf32, #tpu.memory_space<hbm>>
        %dma_wait3A_572 = arith.constant 0 : i32
        %dma_wait3A_573 = tpu.memref_slice %arg4[%add3A_283, %dma_wait3A_572] : memref<262144x128xf32, #tpu.memory_space<hbm>> -> memref<64x128xf32, #tpu.memory_space<hbm>>
        %dma_wait3A_574 = arith.constant 0 : i32
        %dma_wait3A_575 = arith.constant 0 : i32
        %dma_wait3A_576 = tpu.memref_slice %arg12[%run_scoped3A_284, %dma_wait3A_574, %dma_wait3A_575] : memref<8x64x128xf32, #tpu.memory_space<vmem>> -> memref<1x64x128xf32, #tpu.memory_space<vmem>>
        %dma_wait3A_577 = tpu.memref_squeeze %dma_wait3A_576 : memref<1x64x128xf32, #tpu.memory_space<vmem>> -> memref<64x128xf32, #tpu.memory_space<vmem>>
        tpu.wait_dma2 semaphore(%run_scoped3A_553 : memref<!tpu.dma_semaphore, #tpu.memory_space<semaphore_mem>>) src(%dma_wait3A_577 : memref<64x128xf32, #tpu.memory_space<vmem>>) dst(%dma_wait3A_573 : memref<64x128xf32, #tpu.memory_space<hbm>>)
        tpu.yield
      }) : () -> ()
      %add3A_285 = arith.constant 0 : i32
      %add3A_286 = arith.addi %mul3A_263, %add3A_285 : i32
      %add3A_287 = arith.constant 8 : i32
      %add3A_288 = arith.addi %add3A_286, %add3A_287 : i32
      %mul3A_289 = arith.constant 64 : i32
      %mul3A_290 = arith.muli %add3A_288, %mul3A_289 : i32
      %dma_start3A_291 = arith.constant 0 : i32
      %dma_start3A_292 = arith.constant 0 : i32
      %dma_start3A_293 = arith.constant 0 : i32
      %dma_start3A_294 = tpu.memref_slice %arg12[%dma_start3A_291, %dma_start3A_292, %dma_start3A_293] : memref<8x64x128xf32, #tpu.memory_space<vmem>> -> memref<1x64x128xf32, #tpu.memory_space<vmem>>
      %dma_start3A_295 = tpu.memref_squeeze %dma_start3A_294 : memref<1x64x128xf32, #tpu.memory_space<vmem>> -> memref<64x128xf32, #tpu.memory_space<vmem>>
      %dma_start3A_296 = tpu.memref_slice %arg9[%mul3A_290] : memref<8192xi32, #tpu.memory_space<vmem>> -> memref<64xi32, #tpu.memory_space<vmem>>
      %dma_start3A_297 = arith.constant 0 : i32
      %dma_start3A_298 = arith.constant 0 : i32
      %dma_start3A_299 = tpu.memref_slice %arg2[%dma_start3A_297, %dma_start3A_298] : memref<262144x128xf32, #tpu.memory_space<hbm>> -> memref<262144x128xf32, #tpu.memory_space<hbm>>
      tpu.enqueue_indirect_dma source(%dma_start3A_299 : memref<262144x128xf32, #tpu.memory_space<hbm>>) target(%dma_start3A_295 : memref<64x128xf32, #tpu.memory_space<vmem>>) offsets(%dma_start3A_296 : memref<64xi32, #tpu.memory_space<vmem>>) semaphore(%arg13 : memref<!tpu.dma_semaphore, #tpu.memory_space<semaphore_mem>>)
      %add3A_300 = arith.constant 1 : i32
      %add3A_301 = arith.addi %mul3A_263, %add3A_300 : i32
      %mul3A_302 = arith.constant 64 : i32
      %mul3A_303 = arith.muli %add3A_301, %mul3A_302 : i32
      %dma_wait3A_304 = arith.constant 1 : i32
      %dma_wait3A_305 = arith.constant 0 : i32
      %dma_wait3A_306 = arith.constant 0 : i32
      %dma_wait3A_307 = tpu.memref_slice %arg12[%dma_wait3A_304, %dma_wait3A_305, %dma_wait3A_306] : memref<8x64x128xf32, #tpu.memory_space<vmem>> -> memref<1x64x128xf32, #tpu.memory_space<vmem>>
      %dma_wait3A_308 = tpu.memref_squeeze %dma_wait3A_307 : memref<1x64x128xf32, #tpu.memory_space<vmem>> -> memref<64x128xf32, #tpu.memory_space<vmem>>
      %dma_wait3A_309 = tpu.memref_slice %arg9[%mul3A_303] : memref<8192xi32, #tpu.memory_space<vmem>> -> memref<64xi32, #tpu.memory_space<vmem>>
      %dma_wait3A_310 = arith.constant 0 : i32
      %dma_wait3A_311 = arith.constant 0 : i32
      %dma_wait3A_312 = tpu.memref_slice %arg2[%dma_wait3A_310, %dma_wait3A_311] : memref<262144x128xf32, #tpu.memory_space<hbm>> -> memref<262144x128xf32, #tpu.memory_space<hbm>>
      tpu.wait_indirect_dma semaphore(%arg14 : memref<!tpu.dma_semaphore, #tpu.memory_space<semaphore_mem>>) src(%dma_wait3A_312 : memref<262144x128xf32, #tpu.memory_space<hbm>>) dst(%dma_wait3A_308 : memref<64x128xf32, #tpu.memory_space<vmem>>)
      %add3A_313 = arith.constant 1 : i32
      %add3A_314 = arith.addi %mul3A_263, %add3A_313 : i32
      %mul3A_315 = arith.constant 8192 : i32
      %mul3A_316 = arith.muli %add3A, %mul3A_315 : i32
      %mul3A_317 = arith.constant 64 : i32
      %mul3A_318 = arith.muli %add3A_314, %mul3A_317 : i32
      %add3A_319 = arith.addi %mul3A_316, %mul3A_318 : i32
      %run_scoped3A_320 = arith.constant 1 : i32
      "tpu.region"() ({
        %run_scoped3A_553 = tpu.sem_alloc : memref<!tpu.dma_semaphore, #tpu.memory_space<semaphore_mem>>
        %dma_start3A_554 = arith.constant 0 : i32
        %dma_start3A_555 = arith.constant 0 : i32
        %dma_start3A_556 = tpu.memref_slice %arg12[%run_scoped3A_320, %dma_start3A_554, %dma_start3A_555] : memref<8x64x128xf32, #tpu.memory_space<vmem>> -> memref<1x64x128xf32, #tpu.memory_space<vmem>>
        %dma_start3A_557 = tpu.memref_squeeze %dma_start3A_556 : memref<1x64x128xf32, #tpu.memory_space<vmem>> -> memref<64x128xf32, #tpu.memory_space<vmem>>
        %dma_start3A_558 = arith.constant 0 : i32
        %dma_start3A_559 = tpu.memref_slice %arg4[%add3A_319, %dma_start3A_558] : memref<262144x128xf32, #tpu.memory_space<hbm>> -> memref<64x128xf32, #tpu.memory_space<hbm>>
        %dma_start3A_560 = arith.constant 0 : i32
        %dma_start3A_561 = tpu.memref_slice %arg4[%add3A_319, %dma_start3A_560] : memref<262144x128xf32, #tpu.memory_space<hbm>> -> memref<64x128xf32, #tpu.memory_space<hbm>>
        %dma_start3A_562 = arith.constant 0 : i32
        %dma_start3A_563 = arith.constant 0 : i32
        %dma_start3A_564 = tpu.memref_slice %arg12[%run_scoped3A_320, %dma_start3A_562, %dma_start3A_563] : memref<8x64x128xf32, #tpu.memory_space<vmem>> -> memref<1x64x128xf32, #tpu.memory_space<vmem>>
        %dma_start3A_565 = tpu.memref_squeeze %dma_start3A_564 : memref<1x64x128xf32, #tpu.memory_space<vmem>> -> memref<64x128xf32, #tpu.memory_space<vmem>>
        tpu.enqueue_dma source(%dma_start3A_565 : memref<64x128xf32, #tpu.memory_space<vmem>>) target(%dma_start3A_561 : memref<64x128xf32, #tpu.memory_space<hbm>>) target_semaphore(%run_scoped3A_553 : memref<!tpu.dma_semaphore, #tpu.memory_space<semaphore_mem>>)
        %dma_wait3A_566 = arith.constant 0 : i32
        %dma_wait3A_567 = arith.constant 0 : i32
        %dma_wait3A_568 = tpu.memref_slice %arg12[%run_scoped3A_320, %dma_wait3A_566, %dma_wait3A_567] : memref<8x64x128xf32, #tpu.memory_space<vmem>> -> memref<1x64x128xf32, #tpu.memory_space<vmem>>
        %dma_wait3A_569 = tpu.memref_squeeze %dma_wait3A_568 : memref<1x64x128xf32, #tpu.memory_space<vmem>> -> memref<64x128xf32, #tpu.memory_space<vmem>>
        %dma_wait3A_570 = arith.constant 0 : i32
        %dma_wait3A_571 = tpu.memref_slice %arg4[%add3A_319, %dma_wait3A_570] : memref<262144x128xf32, #tpu.memory_space<hbm>> -> memref<64x128xf32, #tpu.memory_space<hbm>>
        %dma_wait3A_572 = arith.constant 0 : i32
        %dma_wait3A_573 = tpu.memref_slice %arg4[%add3A_319, %dma_wait3A_572] : memref<262144x128xf32, #tpu.memory_space<hbm>> -> memref<64x128xf32, #tpu.memory_space<hbm>>
        %dma_wait3A_574 = arith.constant 0 : i32
        %dma_wait3A_575 = arith.constant 0 : i32
        %dma_wait3A_576 = tpu.memref_slice %arg12[%run_scoped3A_320, %dma_wait3A_574, %dma_wait3A_575] : memref<8x64x128xf32, #tpu.memory_space<vmem>> -> memref<1x64x128xf32, #tpu.memory_space<vmem>>
        %dma_wait3A_577 = tpu.memref_squeeze %dma_wait3A_576 : memref<1x64x128xf32, #tpu.memory_space<vmem>> -> memref<64x128xf32, #tpu.memory_space<vmem>>
        tpu.wait_dma2 semaphore(%run_scoped3A_553 : memref<!tpu.dma_semaphore, #tpu.memory_space<semaphore_mem>>) src(%dma_wait3A_577 : memref<64x128xf32, #tpu.memory_space<vmem>>) dst(%dma_wait3A_573 : memref<64x128xf32, #tpu.memory_space<hbm>>)
        tpu.yield
      }) : () -> ()
      %add3A_321 = arith.constant 1 : i32
      %add3A_322 = arith.addi %mul3A_263, %add3A_321 : i32
      %add3A_323 = arith.constant 8 : i32
      %add3A_324 = arith.addi %add3A_322, %add3A_323 : i32
      %mul3A_325 = arith.constant 64 : i32
      %mul3A_326 = arith.muli %add3A_324, %mul3A_325 : i32
      %dma_start3A_327 = arith.constant 1 : i32
      %dma_start3A_328 = arith.constant 0 : i32
      %dma_start3A_329 = arith.constant 0 : i32
      %dma_start3A_330 = tpu.memref_slice %arg12[%dma_start3A_327, %dma_start3A_328, %dma_start3A_329] : memref<8x64x128xf32, #tpu.memory_space<vmem>> -> memref<1x64x128xf32, #tpu.memory_space<vmem>>
      %dma_start3A_331 = tpu.memref_squeeze %dma_start3A_330 : memref<1x64x128xf32, #tpu.memory_space<vmem>> -> memref<64x128xf32, #tpu.memory_space<vmem>>
      %dma_start3A_332 = tpu.memref_slice %arg9[%mul3A_326] : memref<8192xi32, #tpu.memory_space<vmem>> -> memref<64xi32, #tpu.memory_space<vmem>>
      %dma_start3A_333 = arith.constant 0 : i32
      %dma_start3A_334 = arith.constant 0 : i32
      %dma_start3A_335 = tpu.memref_slice %arg2[%dma_start3A_333, %dma_start3A_334] : memref<262144x128xf32, #tpu.memory_space<hbm>> -> memref<262144x128xf32, #tpu.memory_space<hbm>>
      tpu.enqueue_indirect_dma source(%dma_start3A_335 : memref<262144x128xf32, #tpu.memory_space<hbm>>) target(%dma_start3A_331 : memref<64x128xf32, #tpu.memory_space<vmem>>) offsets(%dma_start3A_332 : memref<64xi32, #tpu.memory_space<vmem>>) semaphore(%arg14 : memref<!tpu.dma_semaphore, #tpu.memory_space<semaphore_mem>>)
      %add3A_336 = arith.constant 2 : i32
      %add3A_337 = arith.addi %mul3A_263, %add3A_336 : i32
      %mul3A_338 = arith.constant 64 : i32
      %mul3A_339 = arith.muli %add3A_337, %mul3A_338 : i32
      %dma_wait3A_340 = arith.constant 2 : i32
      %dma_wait3A_341 = arith.constant 0 : i32
      %dma_wait3A_342 = arith.constant 0 : i32
      %dma_wait3A_343 = tpu.memref_slice %arg12[%dma_wait3A_340, %dma_wait3A_341, %dma_wait3A_342] : memref<8x64x128xf32, #tpu.memory_space<vmem>> -> memref<1x64x128xf32, #tpu.memory_space<vmem>>
      %dma_wait3A_344 = tpu.memref_squeeze %dma_wait3A_343 : memref<1x64x128xf32, #tpu.memory_space<vmem>> -> memref<64x128xf32, #tpu.memory_space<vmem>>
      %dma_wait3A_345 = tpu.memref_slice %arg9[%mul3A_339] : memref<8192xi32, #tpu.memory_space<vmem>> -> memref<64xi32, #tpu.memory_space<vmem>>
      %dma_wait3A_346 = arith.constant 0 : i32
      %dma_wait3A_347 = arith.constant 0 : i32
      %dma_wait3A_348 = tpu.memref_slice %arg2[%dma_wait3A_346, %dma_wait3A_347] : memref<262144x128xf32, #tpu.memory_space<hbm>> -> memref<262144x128xf32, #tpu.memory_space<hbm>>
      tpu.wait_indirect_dma semaphore(%arg15 : memref<!tpu.dma_semaphore, #tpu.memory_space<semaphore_mem>>) src(%dma_wait3A_348 : memref<262144x128xf32, #tpu.memory_space<hbm>>) dst(%dma_wait3A_344 : memref<64x128xf32, #tpu.memory_space<vmem>>)
      %add3A_349 = arith.constant 2 : i32
      %add3A_350 = arith.addi %mul3A_263, %add3A_349 : i32
      %mul3A_351 = arith.constant 8192 : i32
      %mul3A_352 = arith.muli %add3A, %mul3A_351 : i32
      %mul3A_353 = arith.constant 64 : i32
      %mul3A_354 = arith.muli %add3A_350, %mul3A_353 : i32
      %add3A_355 = arith.addi %mul3A_352, %mul3A_354 : i32
      %run_scoped3A_356 = arith.constant 2 : i32
      "tpu.region"() ({
        %run_scoped3A_553 = tpu.sem_alloc : memref<!tpu.dma_semaphore, #tpu.memory_space<semaphore_mem>>
        %dma_start3A_554 = arith.constant 0 : i32
        %dma_start3A_555 = arith.constant 0 : i32
        %dma_start3A_556 = tpu.memref_slice %arg12[%run_scoped3A_356, %dma_start3A_554, %dma_start3A_555] : memref<8x64x128xf32, #tpu.memory_space<vmem>> -> memref<1x64x128xf32, #tpu.memory_space<vmem>>
        %dma_start3A_557 = tpu.memref_squeeze %dma_start3A_556 : memref<1x64x128xf32, #tpu.memory_space<vmem>> -> memref<64x128xf32, #tpu.memory_space<vmem>>
        %dma_start3A_558 = arith.constant 0 : i32
        %dma_start3A_559 = tpu.memref_slice %arg4[%add3A_355, %dma_start3A_558] : memref<262144x128xf32, #tpu.memory_space<hbm>> -> memref<64x128xf32, #tpu.memory_space<hbm>>
        %dma_start3A_560 = arith.constant 0 : i32
        %dma_start3A_561 = tpu.memref_slice %arg4[%add3A_355, %dma_start3A_560] : memref<262144x128xf32, #tpu.memory_space<hbm>> -> memref<64x128xf32, #tpu.memory_space<hbm>>
        %dma_start3A_562 = arith.constant 0 : i32
        %dma_start3A_563 = arith.constant 0 : i32
        %dma_start3A_564 = tpu.memref_slice %arg12[%run_scoped3A_356, %dma_start3A_562, %dma_start3A_563] : memref<8x64x128xf32, #tpu.memory_space<vmem>> -> memref<1x64x128xf32, #tpu.memory_space<vmem>>
        %dma_start3A_565 = tpu.memref_squeeze %dma_start3A_564 : memref<1x64x128xf32, #tpu.memory_space<vmem>> -> memref<64x128xf32, #tpu.memory_space<vmem>>
        tpu.enqueue_dma source(%dma_start3A_565 : memref<64x128xf32, #tpu.memory_space<vmem>>) target(%dma_start3A_561 : memref<64x128xf32, #tpu.memory_space<hbm>>) target_semaphore(%run_scoped3A_553 : memref<!tpu.dma_semaphore, #tpu.memory_space<semaphore_mem>>)
        %dma_wait3A_566 = arith.constant 0 : i32
        %dma_wait3A_567 = arith.constant 0 : i32
        %dma_wait3A_568 = tpu.memref_slice %arg12[%run_scoped3A_356, %dma_wait3A_566, %dma_wait3A_567] : memref<8x64x128xf32, #tpu.memory_space<vmem>> -> memref<1x64x128xf32, #tpu.memory_space<vmem>>
        %dma_wait3A_569 = tpu.memref_squeeze %dma_wait3A_568 : memref<1x64x128xf32, #tpu.memory_space<vmem>> -> memref<64x128xf32, #tpu.memory_space<vmem>>
        %dma_wait3A_570 = arith.constant 0 : i32
        %dma_wait3A_571 = tpu.memref_slice %arg4[%add3A_355, %dma_wait3A_570] : memref<262144x128xf32, #tpu.memory_space<hbm>> -> memref<64x128xf32, #tpu.memory_space<hbm>>
        %dma_wait3A_572 = arith.constant 0 : i32
        %dma_wait3A_573 = tpu.memref_slice %arg4[%add3A_355, %dma_wait3A_572] : memref<262144x128xf32, #tpu.memory_space<hbm>> -> memref<64x128xf32, #tpu.memory_space<hbm>>
        %dma_wait3A_574 = arith.constant 0 : i32
        %dma_wait3A_575 = arith.constant 0 : i32
        %dma_wait3A_576 = tpu.memref_slice %arg12[%run_scoped3A_356, %dma_wait3A_574, %dma_wait3A_575] : memref<8x64x128xf32, #tpu.memory_space<vmem>> -> memref<1x64x128xf32, #tpu.memory_space<vmem>>
        %dma_wait3A_577 = tpu.memref_squeeze %dma_wait3A_576 : memref<1x64x128xf32, #tpu.memory_space<vmem>> -> memref<64x128xf32, #tpu.memory_space<vmem>>
        tpu.wait_dma2 semaphore(%run_scoped3A_553 : memref<!tpu.dma_semaphore, #tpu.memory_space<semaphore_mem>>) src(%dma_wait3A_577 : memref<64x128xf32, #tpu.memory_space<vmem>>) dst(%dma_wait3A_573 : memref<64x128xf32, #tpu.memory_space<hbm>>)
        tpu.yield
      }) : () -> ()
      %add3A_357 = arith.constant 2 : i32
      %add3A_358 = arith.addi %mul3A_263, %add3A_357 : i32
      %add3A_359 = arith.constant 8 : i32
      %add3A_360 = arith.addi %add3A_358, %add3A_359 : i32
      %mul3A_361 = arith.constant 64 : i32
      %mul3A_362 = arith.muli %add3A_360, %mul3A_361 : i32
      %dma_start3A_363 = arith.constant 2 : i32
      %dma_start3A_364 = arith.constant 0 : i32
      %dma_start3A_365 = arith.constant 0 : i32
      %dma_start3A_366 = tpu.memref_slice %arg12[%dma_start3A_363, %dma_start3A_364, %dma_start3A_365] : memref<8x64x128xf32, #tpu.memory_space<vmem>> -> memref<1x64x128xf32, #tpu.memory_space<vmem>>
      %dma_start3A_367 = tpu.memref_squeeze %dma_start3A_366 : memref<1x64x128xf32, #tpu.memory_space<vmem>> -> memref<64x128xf32, #tpu.memory_space<vmem>>
      %dma_start3A_368 = tpu.memref_slice %arg9[%mul3A_362] : memref<8192xi32, #tpu.memory_space<vmem>> -> memref<64xi32, #tpu.memory_space<vmem>>
      %dma_start3A_369 = arith.constant 0 : i32
      %dma_start3A_370 = arith.constant 0 : i32
      %dma_start3A_371 = tpu.memref_slice %arg2[%dma_start3A_369, %dma_start3A_370] : memref<262144x128xf32, #tpu.memory_space<hbm>> -> memref<262144x128xf32, #tpu.memory_space<hbm>>
      tpu.enqueue_indirect_dma source(%dma_start3A_371 : memref<262144x128xf32, #tpu.memory_space<hbm>>) target(%dma_start3A_367 : memref<64x128xf32, #tpu.memory_space<vmem>>) offsets(%dma_start3A_368 : memref<64xi32, #tpu.memory_space<vmem>>) semaphore(%arg15 : memref<!tpu.dma_semaphore, #tpu.memory_space<semaphore_mem>>)
      %add3A_372 = arith.constant 3 : i32
      %add3A_373 = arith.addi %mul3A_263, %add3A_372 : i32
      %mul3A_374 = arith.constant 64 : i32
      %mul3A_375 = arith.muli %add3A_373, %mul3A_374 : i32
      %dma_wait3A_376 = arith.constant 3 : i32
      %dma_wait3A_377 = arith.constant 0 : i32
      %dma_wait3A_378 = arith.constant 0 : i32
      %dma_wait3A_379 = tpu.memref_slice %arg12[%dma_wait3A_376, %dma_wait3A_377, %dma_wait3A_378] : memref<8x64x128xf32, #tpu.memory_space<vmem>> -> memref<1x64x128xf32, #tpu.memory_space<vmem>>
      %dma_wait3A_380 = tpu.memref_squeeze %dma_wait3A_379 : memref<1x64x128xf32, #tpu.memory_space<vmem>> -> memref<64x128xf32, #tpu.memory_space<vmem>>
      %dma_wait3A_381 = tpu.memref_slice %arg9[%mul3A_375] : memref<8192xi32, #tpu.memory_space<vmem>> -> memref<64xi32, #tpu.memory_space<vmem>>
      %dma_wait3A_382 = arith.constant 0 : i32
      %dma_wait3A_383 = arith.constant 0 : i32
      %dma_wait3A_384 = tpu.memref_slice %arg2[%dma_wait3A_382, %dma_wait3A_383] : memref<262144x128xf32, #tpu.memory_space<hbm>> -> memref<262144x128xf32, #tpu.memory_space<hbm>>
      tpu.wait_indirect_dma semaphore(%arg16 : memref<!tpu.dma_semaphore, #tpu.memory_space<semaphore_mem>>) src(%dma_wait3A_384 : memref<262144x128xf32, #tpu.memory_space<hbm>>) dst(%dma_wait3A_380 : memref<64x128xf32, #tpu.memory_space<vmem>>)
      %add3A_385 = arith.constant 3 : i32
      %add3A_386 = arith.addi %mul3A_263, %add3A_385 : i32
      %mul3A_387 = arith.constant 8192 : i32
      %mul3A_388 = arith.muli %add3A, %mul3A_387 : i32
      %mul3A_389 = arith.constant 64 : i32
      %mul3A_390 = arith.muli %add3A_386, %mul3A_389 : i32
      %add3A_391 = arith.addi %mul3A_388, %mul3A_390 : i32
      %run_scoped3A_392 = arith.constant 3 : i32
      "tpu.region"() ({
        %run_scoped3A_553 = tpu.sem_alloc : memref<!tpu.dma_semaphore, #tpu.memory_space<semaphore_mem>>
        %dma_start3A_554 = arith.constant 0 : i32
        %dma_start3A_555 = arith.constant 0 : i32
        %dma_start3A_556 = tpu.memref_slice %arg12[%run_scoped3A_392, %dma_start3A_554, %dma_start3A_555] : memref<8x64x128xf32, #tpu.memory_space<vmem>> -> memref<1x64x128xf32, #tpu.memory_space<vmem>>
        %dma_start3A_557 = tpu.memref_squeeze %dma_start3A_556 : memref<1x64x128xf32, #tpu.memory_space<vmem>> -> memref<64x128xf32, #tpu.memory_space<vmem>>
        %dma_start3A_558 = arith.constant 0 : i32
        %dma_start3A_559 = tpu.memref_slice %arg4[%add3A_391, %dma_start3A_558] : memref<262144x128xf32, #tpu.memory_space<hbm>> -> memref<64x128xf32, #tpu.memory_space<hbm>>
        %dma_start3A_560 = arith.constant 0 : i32
        %dma_start3A_561 = tpu.memref_slice %arg4[%add3A_391, %dma_start3A_560] : memref<262144x128xf32, #tpu.memory_space<hbm>> -> memref<64x128xf32, #tpu.memory_space<hbm>>
        %dma_start3A_562 = arith.constant 0 : i32
        %dma_start3A_563 = arith.constant 0 : i32
        %dma_start3A_564 = tpu.memref_slice %arg12[%run_scoped3A_392, %dma_start3A_562, %dma_start3A_563] : memref<8x64x128xf32, #tpu.memory_space<vmem>> -> memref<1x64x128xf32, #tpu.memory_space<vmem>>
        %dma_start3A_565 = tpu.memref_squeeze %dma_start3A_564 : memref<1x64x128xf32, #tpu.memory_space<vmem>> -> memref<64x128xf32, #tpu.memory_space<vmem>>
        tpu.enqueue_dma source(%dma_start3A_565 : memref<64x128xf32, #tpu.memory_space<vmem>>) target(%dma_start3A_561 : memref<64x128xf32, #tpu.memory_space<hbm>>) target_semaphore(%run_scoped3A_553 : memref<!tpu.dma_semaphore, #tpu.memory_space<semaphore_mem>>)
        %dma_wait3A_566 = arith.constant 0 : i32
        %dma_wait3A_567 = arith.constant 0 : i32
        %dma_wait3A_568 = tpu.memref_slice %arg12[%run_scoped3A_392, %dma_wait3A_566, %dma_wait3A_567] : memref<8x64x128xf32, #tpu.memory_space<vmem>> -> memref<1x64x128xf32, #tpu.memory_space<vmem>>
        %dma_wait3A_569 = tpu.memref_squeeze %dma_wait3A_568 : memref<1x64x128xf32, #tpu.memory_space<vmem>> -> memref<64x128xf32, #tpu.memory_space<vmem>>
        %dma_wait3A_570 = arith.constant 0 : i32
        %dma_wait3A_571 = tpu.memref_slice %arg4[%add3A_391, %dma_wait3A_570] : memref<262144x128xf32, #tpu.memory_space<hbm>> -> memref<64x128xf32, #tpu.memory_space<hbm>>
        %dma_wait3A_572 = arith.constant 0 : i32
        %dma_wait3A_573 = tpu.memref_slice %arg4[%add3A_391, %dma_wait3A_572] : memref<262144x128xf32, #tpu.memory_space<hbm>> -> memref<64x128xf32, #tpu.memory_space<hbm>>
        %dma_wait3A_574 = arith.constant 0 : i32
        %dma_wait3A_575 = arith.constant 0 : i32
        %dma_wait3A_576 = tpu.memref_slice %arg12[%run_scoped3A_392, %dma_wait3A_574, %dma_wait3A_575] : memref<8x64x128xf32, #tpu.memory_space<vmem>> -> memref<1x64x128xf32, #tpu.memory_space<vmem>>
        %dma_wait3A_577 = tpu.memref_squeeze %dma_wait3A_576 : memref<1x64x128xf32, #tpu.memory_space<vmem>> -> memref<64x128xf32, #tpu.memory_space<vmem>>
        tpu.wait_dma2 semaphore(%run_scoped3A_553 : memref<!tpu.dma_semaphore, #tpu.memory_space<semaphore_mem>>) src(%dma_wait3A_577 : memref<64x128xf32, #tpu.memory_space<vmem>>) dst(%dma_wait3A_573 : memref<64x128xf32, #tpu.memory_space<hbm>>)
        tpu.yield
      }) : () -> ()
      %add3A_393 = arith.constant 3 : i32
      %add3A_394 = arith.addi %mul3A_263, %add3A_393 : i32
      %add3A_395 = arith.constant 8 : i32
      %add3A_396 = arith.addi %add3A_394, %add3A_395 : i32
      %mul3A_397 = arith.constant 64 : i32
      %mul3A_398 = arith.muli %add3A_396, %mul3A_397 : i32
      %dma_start3A_399 = arith.constant 3 : i32
      %dma_start3A_400 = arith.constant 0 : i32
      %dma_start3A_401 = arith.constant 0 : i32
      %dma_start3A_402 = tpu.memref_slice %arg12[%dma_start3A_399, %dma_start3A_400, %dma_start3A_401] : memref<8x64x128xf32, #tpu.memory_space<vmem>> -> memref<1x64x128xf32, #tpu.memory_space<vmem>>
      %dma_start3A_403 = tpu.memref_squeeze %dma_start3A_402 : memref<1x64x128xf32, #tpu.memory_space<vmem>> -> memref<64x128xf32, #tpu.memory_space<vmem>>
      %dma_start3A_404 = tpu.memref_slice %arg9[%mul3A_398] : memref<8192xi32, #tpu.memory_space<vmem>> -> memref<64xi32, #tpu.memory_space<vmem>>
      %dma_start3A_405 = arith.constant 0 : i32
      %dma_start3A_406 = arith.constant 0 : i32
      %dma_start3A_407 = tpu.memref_slice %arg2[%dma_start3A_405, %dma_start3A_406] : memref<262144x128xf32, #tpu.memory_space<hbm>> -> memref<262144x128xf32, #tpu.memory_space<hbm>>
      tpu.enqueue_indirect_dma source(%dma_start3A_407 : memref<262144x128xf32, #tpu.memory_space<hbm>>) target(%dma_start3A_403 : memref<64x128xf32, #tpu.memory_space<vmem>>) offsets(%dma_start3A_404 : memref<64xi32, #tpu.memory_space<vmem>>) semaphore(%arg16 : memref<!tpu.dma_semaphore, #tpu.memory_space<semaphore_mem>>)
      %add3A_408 = arith.constant 4 : i32
      %add3A_409 = arith.addi %mul3A_263, %add3A_408 : i32
      %mul3A_410 = arith.constant 64 : i32
      %mul3A_411 = arith.muli %add3A_409, %mul3A_410 : i32
      %dma_wait3A_412 = arith.constant 4 : i32
      %dma_wait3A_413 = arith.constant 0 : i32
      %dma_wait3A_414 = arith.constant 0 : i32
      %dma_wait3A_415 = tpu.memref_slice %arg12[%dma_wait3A_412, %dma_wait3A_413, %dma_wait3A_414] : memref<8x64x128xf32, #tpu.memory_space<vmem>> -> memref<1x64x128xf32, #tpu.memory_space<vmem>>
      %dma_wait3A_416 = tpu.memref_squeeze %dma_wait3A_415 : memref<1x64x128xf32, #tpu.memory_space<vmem>> -> memref<64x128xf32, #tpu.memory_space<vmem>>
      %dma_wait3A_417 = tpu.memref_slice %arg9[%mul3A_411] : memref<8192xi32, #tpu.memory_space<vmem>> -> memref<64xi32, #tpu.memory_space<vmem>>
      %dma_wait3A_418 = arith.constant 0 : i32
      %dma_wait3A_419 = arith.constant 0 : i32
      %dma_wait3A_420 = tpu.memref_slice %arg2[%dma_wait3A_418, %dma_wait3A_419] : memref<262144x128xf32, #tpu.memory_space<hbm>> -> memref<262144x128xf32, #tpu.memory_space<hbm>>
      tpu.wait_indirect_dma semaphore(%arg17 : memref<!tpu.dma_semaphore, #tpu.memory_space<semaphore_mem>>) src(%dma_wait3A_420 : memref<262144x128xf32, #tpu.memory_space<hbm>>) dst(%dma_wait3A_416 : memref<64x128xf32, #tpu.memory_space<vmem>>)
      %add3A_421 = arith.constant 4 : i32
      %add3A_422 = arith.addi %mul3A_263, %add3A_421 : i32
      %mul3A_423 = arith.constant 8192 : i32
      %mul3A_424 = arith.muli %add3A, %mul3A_423 : i32
      %mul3A_425 = arith.constant 64 : i32
      %mul3A_426 = arith.muli %add3A_422, %mul3A_425 : i32
      %add3A_427 = arith.addi %mul3A_424, %mul3A_426 : i32
      %run_scoped3A_428 = arith.constant 4 : i32
      "tpu.region"() ({
        %run_scoped3A_553 = tpu.sem_alloc : memref<!tpu.dma_semaphore, #tpu.memory_space<semaphore_mem>>
        %dma_start3A_554 = arith.constant 0 : i32
        %dma_start3A_555 = arith.constant 0 : i32
        %dma_start3A_556 = tpu.memref_slice %arg12[%run_scoped3A_428, %dma_start3A_554, %dma_start3A_555] : memref<8x64x128xf32, #tpu.memory_space<vmem>> -> memref<1x64x128xf32, #tpu.memory_space<vmem>>
        %dma_start3A_557 = tpu.memref_squeeze %dma_start3A_556 : memref<1x64x128xf32, #tpu.memory_space<vmem>> -> memref<64x128xf32, #tpu.memory_space<vmem>>
        %dma_start3A_558 = arith.constant 0 : i32
        %dma_start3A_559 = tpu.memref_slice %arg4[%add3A_427, %dma_start3A_558] : memref<262144x128xf32, #tpu.memory_space<hbm>> -> memref<64x128xf32, #tpu.memory_space<hbm>>
        %dma_start3A_560 = arith.constant 0 : i32
        %dma_start3A_561 = tpu.memref_slice %arg4[%add3A_427, %dma_start3A_560] : memref<262144x128xf32, #tpu.memory_space<hbm>> -> memref<64x128xf32, #tpu.memory_space<hbm>>
        %dma_start3A_562 = arith.constant 0 : i32
        %dma_start3A_563 = arith.constant 0 : i32
        %dma_start3A_564 = tpu.memref_slice %arg12[%run_scoped3A_428, %dma_start3A_562, %dma_start3A_563] : memref<8x64x128xf32, #tpu.memory_space<vmem>> -> memref<1x64x128xf32, #tpu.memory_space<vmem>>
        %dma_start3A_565 = tpu.memref_squeeze %dma_start3A_564 : memref<1x64x128xf32, #tpu.memory_space<vmem>> -> memref<64x128xf32, #tpu.memory_space<vmem>>
        tpu.enqueue_dma source(%dma_start3A_565 : memref<64x128xf32, #tpu.memory_space<vmem>>) target(%dma_start3A_561 : memref<64x128xf32, #tpu.memory_space<hbm>>) target_semaphore(%run_scoped3A_553 : memref<!tpu.dma_semaphore, #tpu.memory_space<semaphore_mem>>)
        %dma_wait3A_566 = arith.constant 0 : i32
        %dma_wait3A_567 = arith.constant 0 : i32
        %dma_wait3A_568 = tpu.memref_slice %arg12[%run_scoped3A_428, %dma_wait3A_566, %dma_wait3A_567] : memref<8x64x128xf32, #tpu.memory_space<vmem>> -> memref<1x64x128xf32, #tpu.memory_space<vmem>>
        %dma_wait3A_569 = tpu.memref_squeeze %dma_wait3A_568 : memref<1x64x128xf32, #tpu.memory_space<vmem>> -> memref<64x128xf32, #tpu.memory_space<vmem>>
        %dma_wait3A_570 = arith.constant 0 : i32
        %dma_wait3A_571 = tpu.memref_slice %arg4[%add3A_427, %dma_wait3A_570] : memref<262144x128xf32, #tpu.memory_space<hbm>> -> memref<64x128xf32, #tpu.memory_space<hbm>>
        %dma_wait3A_572 = arith.constant 0 : i32
        %dma_wait3A_573 = tpu.memref_slice %arg4[%add3A_427, %dma_wait3A_572] : memref<262144x128xf32, #tpu.memory_space<hbm>> -> memref<64x128xf32, #tpu.memory_space<hbm>>
        %dma_wait3A_574 = arith.constant 0 : i32
        %dma_wait3A_575 = arith.constant 0 : i32
        %dma_wait3A_576 = tpu.memref_slice %arg12[%run_scoped3A_428, %dma_wait3A_574, %dma_wait3A_575] : memref<8x64x128xf32, #tpu.memory_space<vmem>> -> memref<1x64x128xf32, #tpu.memory_space<vmem>>
        %dma_wait3A_577 = tpu.memref_squeeze %dma_wait3A_576 : memref<1x64x128xf32, #tpu.memory_space<vmem>> -> memref<64x128xf32, #tpu.memory_space<vmem>>
        tpu.wait_dma2 semaphore(%run_scoped3A_553 : memref<!tpu.dma_semaphore, #tpu.memory_space<semaphore_mem>>) src(%dma_wait3A_577 : memref<64x128xf32, #tpu.memory_space<vmem>>) dst(%dma_wait3A_573 : memref<64x128xf32, #tpu.memory_space<hbm>>)
        tpu.yield
      }) : () -> ()
      %add3A_429 = arith.constant 4 : i32
      %add3A_430 = arith.addi %mul3A_263, %add3A_429 : i32
      %add3A_431 = arith.constant 8 : i32
      %add3A_432 = arith.addi %add3A_430, %add3A_431 : i32
      %mul3A_433 = arith.constant 64 : i32
      %mul3A_434 = arith.muli %add3A_432, %mul3A_433 : i32
      %dma_start3A_435 = arith.constant 4 : i32
      %dma_start3A_436 = arith.constant 0 : i32
      %dma_start3A_437 = arith.constant 0 : i32
      %dma_start3A_438 = tpu.memref_slice %arg12[%dma_start3A_435, %dma_start3A_436, %dma_start3A_437] : memref<8x64x128xf32, #tpu.memory_space<vmem>> -> memref<1x64x128xf32, #tpu.memory_space<vmem>>
      %dma_start3A_439 = tpu.memref_squeeze %dma_start3A_438 : memref<1x64x128xf32, #tpu.memory_space<vmem>> -> memref<64x128xf32, #tpu.memory_space<vmem>>
      %dma_start3A_440 = tpu.memref_slice %arg9[%mul3A_434] : memref<8192xi32, #tpu.memory_space<vmem>> -> memref<64xi32, #tpu.memory_space<vmem>>
      %dma_start3A_441 = arith.constant 0 : i32
      %dma_start3A_442 = arith.constant 0 : i32
      %dma_start3A_443 = tpu.memref_slice %arg2[%dma_start3A_441, %dma_start3A_442] : memref<262144x128xf32, #tpu.memory_space<hbm>> -> memref<262144x128xf32, #tpu.memory_space<hbm>>
      tpu.enqueue_indirect_dma source(%dma_start3A_443 : memref<262144x128xf32, #tpu.memory_space<hbm>>) target(%dma_start3A_439 : memref<64x128xf32, #tpu.memory_space<vmem>>) offsets(%dma_start3A_440 : memref<64xi32, #tpu.memory_space<vmem>>) semaphore(%arg17 : memref<!tpu.dma_semaphore, #tpu.memory_space<semaphore_mem>>)
      %add3A_444 = arith.constant 5 : i32
      %add3A_445 = arith.addi %mul3A_263, %add3A_444 : i32
      %mul3A_446 = arith.constant 64 : i32
      %mul3A_447 = arith.muli %add3A_445, %mul3A_446 : i32
      %dma_wait3A_448 = arith.constant 5 : i32
      %dma_wait3A_449 = arith.constant 0 : i32
      %dma_wait3A_450 = arith.constant 0 : i32
      %dma_wait3A_451 = tpu.memref_slice %arg12[%dma_wait3A_448, %dma_wait3A_449, %dma_wait3A_450] : memref<8x64x128xf32, #tpu.memory_space<vmem>> -> memref<1x64x128xf32, #tpu.memory_space<vmem>>
      %dma_wait3A_452 = tpu.memref_squeeze %dma_wait3A_451 : memref<1x64x128xf32, #tpu.memory_space<vmem>> -> memref<64x128xf32, #tpu.memory_space<vmem>>
      %dma_wait3A_453 = tpu.memref_slice %arg9[%mul3A_447] : memref<8192xi32, #tpu.memory_space<vmem>> -> memref<64xi32, #tpu.memory_space<vmem>>
      %dma_wait3A_454 = arith.constant 0 : i32
      %dma_wait3A_455 = arith.constant 0 : i32
      %dma_wait3A_456 = tpu.memref_slice %arg2[%dma_wait3A_454, %dma_wait3A_455] : memref<262144x128xf32, #tpu.memory_space<hbm>> -> memref<262144x128xf32, #tpu.memory_space<hbm>>
      tpu.wait_indirect_dma semaphore(%arg18 : memref<!tpu.dma_semaphore, #tpu.memory_space<semaphore_mem>>) src(%dma_wait3A_456 : memref<262144x128xf32, #tpu.memory_space<hbm>>) dst(%dma_wait3A_452 : memref<64x128xf32, #tpu.memory_space<vmem>>)
      %add3A_457 = arith.constant 5 : i32
      %add3A_458 = arith.addi %mul3A_263, %add3A_457 : i32
      %mul3A_459 = arith.constant 8192 : i32
      %mul3A_460 = arith.muli %add3A, %mul3A_459 : i32
      %mul3A_461 = arith.constant 64 : i32
      %mul3A_462 = arith.muli %add3A_458, %mul3A_461 : i32
      %add3A_463 = arith.addi %mul3A_460, %mul3A_462 : i32
      %run_scoped3A_464 = arith.constant 5 : i32
      "tpu.region"() ({
        %run_scoped3A_553 = tpu.sem_alloc : memref<!tpu.dma_semaphore, #tpu.memory_space<semaphore_mem>>
        %dma_start3A_554 = arith.constant 0 : i32
        %dma_start3A_555 = arith.constant 0 : i32
        %dma_start3A_556 = tpu.memref_slice %arg12[%run_scoped3A_464, %dma_start3A_554, %dma_start3A_555] : memref<8x64x128xf32, #tpu.memory_space<vmem>> -> memref<1x64x128xf32, #tpu.memory_space<vmem>>
        %dma_start3A_557 = tpu.memref_squeeze %dma_start3A_556 : memref<1x64x128xf32, #tpu.memory_space<vmem>> -> memref<64x128xf32, #tpu.memory_space<vmem>>
        %dma_start3A_558 = arith.constant 0 : i32
        %dma_start3A_559 = tpu.memref_slice %arg4[%add3A_463, %dma_start3A_558] : memref<262144x128xf32, #tpu.memory_space<hbm>> -> memref<64x128xf32, #tpu.memory_space<hbm>>
        %dma_start3A_560 = arith.constant 0 : i32
        %dma_start3A_561 = tpu.memref_slice %arg4[%add3A_463, %dma_start3A_560] : memref<262144x128xf32, #tpu.memory_space<hbm>> -> memref<64x128xf32, #tpu.memory_space<hbm>>
        %dma_start3A_562 = arith.constant 0 : i32
        %dma_start3A_563 = arith.constant 0 : i32
        %dma_start3A_564 = tpu.memref_slice %arg12[%run_scoped3A_464, %dma_start3A_562, %dma_start3A_563] : memref<8x64x128xf32, #tpu.memory_space<vmem>> -> memref<1x64x128xf32, #tpu.memory_space<vmem>>
        %dma_start3A_565 = tpu.memref_squeeze %dma_start3A_564 : memref<1x64x128xf32, #tpu.memory_space<vmem>> -> memref<64x128xf32, #tpu.memory_space<vmem>>
        tpu.enqueue_dma source(%dma_start3A_565 : memref<64x128xf32, #tpu.memory_space<vmem>>) target(%dma_start3A_561 : memref<64x128xf32, #tpu.memory_space<hbm>>) target_semaphore(%run_scoped3A_553 : memref<!tpu.dma_semaphore, #tpu.memory_space<semaphore_mem>>)
        %dma_wait3A_566 = arith.constant 0 : i32
        %dma_wait3A_567 = arith.constant 0 : i32
        %dma_wait3A_568 = tpu.memref_slice %arg12[%run_scoped3A_464, %dma_wait3A_566, %dma_wait3A_567] : memref<8x64x128xf32, #tpu.memory_space<vmem>> -> memref<1x64x128xf32, #tpu.memory_space<vmem>>
        %dma_wait3A_569 = tpu.memref_squeeze %dma_wait3A_568 : memref<1x64x128xf32, #tpu.memory_space<vmem>> -> memref<64x128xf32, #tpu.memory_space<vmem>>
        %dma_wait3A_570 = arith.constant 0 : i32
        %dma_wait3A_571 = tpu.memref_slice %arg4[%add3A_463, %dma_wait3A_570] : memref<262144x128xf32, #tpu.memory_space<hbm>> -> memref<64x128xf32, #tpu.memory_space<hbm>>
        %dma_wait3A_572 = arith.constant 0 : i32
        %dma_wait3A_573 = tpu.memref_slice %arg4[%add3A_463, %dma_wait3A_572] : memref<262144x128xf32, #tpu.memory_space<hbm>> -> memref<64x128xf32, #tpu.memory_space<hbm>>
        %dma_wait3A_574 = arith.constant 0 : i32
        %dma_wait3A_575 = arith.constant 0 : i32
        %dma_wait3A_576 = tpu.memref_slice %arg12[%run_scoped3A_464, %dma_wait3A_574, %dma_wait3A_575] : memref<8x64x128xf32, #tpu.memory_space<vmem>> -> memref<1x64x128xf32, #tpu.memory_space<vmem>>
        %dma_wait3A_577 = tpu.memref_squeeze %dma_wait3A_576 : memref<1x64x128xf32, #tpu.memory_space<vmem>> -> memref<64x128xf32, #tpu.memory_space<vmem>>
        tpu.wait_dma2 semaphore(%run_scoped3A_553 : memref<!tpu.dma_semaphore, #tpu.memory_space<semaphore_mem>>) src(%dma_wait3A_577 : memref<64x128xf32, #tpu.memory_space<vmem>>) dst(%dma_wait3A_573 : memref<64x128xf32, #tpu.memory_space<hbm>>)
        tpu.yield
      }) : () -> ()
      %add3A_465 = arith.constant 5 : i32
      %add3A_466 = arith.addi %mul3A_263, %add3A_465 : i32
      %add3A_467 = arith.constant 8 : i32
      %add3A_468 = arith.addi %add3A_466, %add3A_467 : i32
      %mul3A_469 = arith.constant 64 : i32
      %mul3A_470 = arith.muli %add3A_468, %mul3A_469 : i32
      %dma_start3A_471 = arith.constant 5 : i32
      %dma_start3A_472 = arith.constant 0 : i32
      %dma_start3A_473 = arith.constant 0 : i32
      %dma_start3A_474 = tpu.memref_slice %arg12[%dma_start3A_471, %dma_start3A_472, %dma_start3A_473] : memref<8x64x128xf32, #tpu.memory_space<vmem>> -> memref<1x64x128xf32, #tpu.memory_space<vmem>>
      %dma_start3A_475 = tpu.memref_squeeze %dma_start3A_474 : memref<1x64x128xf32, #tpu.memory_space<vmem>> -> memref<64x128xf32, #tpu.memory_space<vmem>>
      %dma_start3A_476 = tpu.memref_slice %arg9[%mul3A_470] : memref<8192xi32, #tpu.memory_space<vmem>> -> memref<64xi32, #tpu.memory_space<vmem>>
      %dma_start3A_477 = arith.constant 0 : i32
      %dma_start3A_478 = arith.constant 0 : i32
      %dma_start3A_479 = tpu.memref_slice %arg2[%dma_start3A_477, %dma_start3A_478] : memref<262144x128xf32, #tpu.memory_space<hbm>> -> memref<262144x128xf32, #tpu.memory_space<hbm>>
      tpu.enqueue_indirect_dma source(%dma_start3A_479 : memref<262144x128xf32, #tpu.memory_space<hbm>>) target(%dma_start3A_475 : memref<64x128xf32, #tpu.memory_space<vmem>>) offsets(%dma_start3A_476 : memref<64xi32, #tpu.memory_space<vmem>>) semaphore(%arg18 : memref<!tpu.dma_semaphore, #tpu.memory_space<semaphore_mem>>)
      %add3A_480 = arith.constant 6 : i32
      %add3A_481 = arith.addi %mul3A_263, %add3A_480 : i32
      %mul3A_482 = arith.constant 64 : i32
      %mul3A_483 = arith.muli %add3A_481, %mul3A_482 : i32
      %dma_wait3A_484 = arith.constant 6 : i32
      %dma_wait3A_485 = arith.constant 0 : i32
      %dma_wait3A_486 = arith.constant 0 : i32
      %dma_wait3A_487 = tpu.memref_slice %arg12[%dma_wait3A_484, %dma_wait3A_485, %dma_wait3A_486] : memref<8x64x128xf32, #tpu.memory_space<vmem>> -> memref<1x64x128xf32, #tpu.memory_space<vmem>>
      %dma_wait3A_488 = tpu.memref_squeeze %dma_wait3A_487 : memref<1x64x128xf32, #tpu.memory_space<vmem>> -> memref<64x128xf32, #tpu.memory_space<vmem>>
      %dma_wait3A_489 = tpu.memref_slice %arg9[%mul3A_483] : memref<8192xi32, #tpu.memory_space<vmem>> -> memref<64xi32, #tpu.memory_space<vmem>>
      %dma_wait3A_490 = arith.constant 0 : i32
      %dma_wait3A_491 = arith.constant 0 : i32
      %dma_wait3A_492 = tpu.memref_slice %arg2[%dma_wait3A_490, %dma_wait3A_491] : memref<262144x128xf32, #tpu.memory_space<hbm>> -> memref<262144x128xf32, #tpu.memory_space<hbm>>
      tpu.wait_indirect_dma semaphore(%arg19 : memref<!tpu.dma_semaphore, #tpu.memory_space<semaphore_mem>>) src(%dma_wait3A_492 : memref<262144x128xf32, #tpu.memory_space<hbm>>) dst(%dma_wait3A_488 : memref<64x128xf32, #tpu.memory_space<vmem>>)
      %add3A_493 = arith.constant 6 : i32
      %add3A_494 = arith.addi %mul3A_263, %add3A_493 : i32
      %mul3A_495 = arith.constant 8192 : i32
      %mul3A_496 = arith.muli %add3A, %mul3A_495 : i32
      %mul3A_497 = arith.constant 64 : i32
      %mul3A_498 = arith.muli %add3A_494, %mul3A_497 : i32
      %add3A_499 = arith.addi %mul3A_496, %mul3A_498 : i32
      %run_scoped3A_500 = arith.constant 6 : i32
      "tpu.region"() ({
        %run_scoped3A_553 = tpu.sem_alloc : memref<!tpu.dma_semaphore, #tpu.memory_space<semaphore_mem>>
        %dma_start3A_554 = arith.constant 0 : i32
        %dma_start3A_555 = arith.constant 0 : i32
        %dma_start3A_556 = tpu.memref_slice %arg12[%run_scoped3A_500, %dma_start3A_554, %dma_start3A_555] : memref<8x64x128xf32, #tpu.memory_space<vmem>> -> memref<1x64x128xf32, #tpu.memory_space<vmem>>
        %dma_start3A_557 = tpu.memref_squeeze %dma_start3A_556 : memref<1x64x128xf32, #tpu.memory_space<vmem>> -> memref<64x128xf32, #tpu.memory_space<vmem>>
        %dma_start3A_558 = arith.constant 0 : i32
        %dma_start3A_559 = tpu.memref_slice %arg4[%add3A_499, %dma_start3A_558] : memref<262144x128xf32, #tpu.memory_space<hbm>> -> memref<64x128xf32, #tpu.memory_space<hbm>>
        %dma_start3A_560 = arith.constant 0 : i32
        %dma_start3A_561 = tpu.memref_slice %arg4[%add3A_499, %dma_start3A_560] : memref<262144x128xf32, #tpu.memory_space<hbm>> -> memref<64x128xf32, #tpu.memory_space<hbm>>
        %dma_start3A_562 = arith.constant 0 : i32
        %dma_start3A_563 = arith.constant 0 : i32
        %dma_start3A_564 = tpu.memref_slice %arg12[%run_scoped3A_500, %dma_start3A_562, %dma_start3A_563] : memref<8x64x128xf32, #tpu.memory_space<vmem>> -> memref<1x64x128xf32, #tpu.memory_space<vmem>>
        %dma_start3A_565 = tpu.memref_squeeze %dma_start3A_564 : memref<1x64x128xf32, #tpu.memory_space<vmem>> -> memref<64x128xf32, #tpu.memory_space<vmem>>
        tpu.enqueue_dma source(%dma_start3A_565 : memref<64x128xf32, #tpu.memory_space<vmem>>) target(%dma_start3A_561 : memref<64x128xf32, #tpu.memory_space<hbm>>) target_semaphore(%run_scoped3A_553 : memref<!tpu.dma_semaphore, #tpu.memory_space<semaphore_mem>>)
        %dma_wait3A_566 = arith.constant 0 : i32
        %dma_wait3A_567 = arith.constant 0 : i32
        %dma_wait3A_568 = tpu.memref_slice %arg12[%run_scoped3A_500, %dma_wait3A_566, %dma_wait3A_567] : memref<8x64x128xf32, #tpu.memory_space<vmem>> -> memref<1x64x128xf32, #tpu.memory_space<vmem>>
        %dma_wait3A_569 = tpu.memref_squeeze %dma_wait3A_568 : memref<1x64x128xf32, #tpu.memory_space<vmem>> -> memref<64x128xf32, #tpu.memory_space<vmem>>
        %dma_wait3A_570 = arith.constant 0 : i32
        %dma_wait3A_571 = tpu.memref_slice %arg4[%add3A_499, %dma_wait3A_570] : memref<262144x128xf32, #tpu.memory_space<hbm>> -> memref<64x128xf32, #tpu.memory_space<hbm>>
        %dma_wait3A_572 = arith.constant 0 : i32
        %dma_wait3A_573 = tpu.memref_slice %arg4[%add3A_499, %dma_wait3A_572] : memref<262144x128xf32, #tpu.memory_space<hbm>> -> memref<64x128xf32, #tpu.memory_space<hbm>>
        %dma_wait3A_574 = arith.constant 0 : i32
        %dma_wait3A_575 = arith.constant 0 : i32
        %dma_wait3A_576 = tpu.memref_slice %arg12[%run_scoped3A_500, %dma_wait3A_574, %dma_wait3A_575] : memref<8x64x128xf32, #tpu.memory_space<vmem>> -> memref<1x64x128xf32, #tpu.memory_space<vmem>>
        %dma_wait3A_577 = tpu.memref_squeeze %dma_wait3A_576 : memref<1x64x128xf32, #tpu.memory_space<vmem>> -> memref<64x128xf32, #tpu.memory_space<vmem>>
        tpu.wait_dma2 semaphore(%run_scoped3A_553 : memref<!tpu.dma_semaphore, #tpu.memory_space<semaphore_mem>>) src(%dma_wait3A_577 : memref<64x128xf32, #tpu.memory_space<vmem>>) dst(%dma_wait3A_573 : memref<64x128xf32, #tpu.memory_space<hbm>>)
        tpu.yield
      }) : () -> ()
      %add3A_501 = arith.constant 6 : i32
      %add3A_502 = arith.addi %mul3A_263, %add3A_501 : i32
      %add3A_503 = arith.constant 8 : i32
      %add3A_504 = arith.addi %add3A_502, %add3A_503 : i32
      %mul3A_505 = arith.constant 64 : i32
      %mul3A_506 = arith.muli %add3A_504, %mul3A_505 : i32
      %dma_start3A_507 = arith.constant 6 : i32
      %dma_start3A_508 = arith.constant 0 : i32
      %dma_start3A_509 = arith.constant 0 : i32
      %dma_start3A_510 = tpu.memref_slice %arg12[%dma_start3A_507, %dma_start3A_508, %dma_start3A_509] : memref<8x64x128xf32, #tpu.memory_space<vmem>> -> memref<1x64x128xf32, #tpu.memory_space<vmem>>
      %dma_start3A_511 = tpu.memref_squeeze %dma_start3A_510 : memref<1x64x128xf32, #tpu.memory_space<vmem>> -> memref<64x128xf32, #tpu.memory_space<vmem>>
      %dma_start3A_512 = tpu.memref_slice %arg9[%mul3A_506] : memref<8192xi32, #tpu.memory_space<vmem>> -> memref<64xi32, #tpu.memory_space<vmem>>
      %dma_start3A_513 = arith.constant 0 : i32
      %dma_start3A_514 = arith.constant 0 : i32
      %dma_start3A_515 = tpu.memref_slice %arg2[%dma_start3A_513, %dma_start3A_514] : memref<262144x128xf32, #tpu.memory_space<hbm>> -> memref<262144x128xf32, #tpu.memory_space<hbm>>
      tpu.enqueue_indirect_dma source(%dma_start3A_515 : memref<262144x128xf32, #tpu.memory_space<hbm>>) target(%dma_start3A_511 : memref<64x128xf32, #tpu.memory_space<vmem>>) offsets(%dma_start3A_512 : memref<64xi32, #tpu.memory_space<vmem>>) semaphore(%arg19 : memref<!tpu.dma_semaphore, #tpu.memory_space<semaphore_mem>>)
      %add3A_516 = arith.constant 7 : i32
      %add3A_517 = arith.addi %mul3A_263, %add3A_516 : i32
      %mul3A_518 = arith.constant 64 : i32
      %mul3A_519 = arith.muli %add3A_517, %mul3A_518 : i32
      %dma_wait3A_520 = arith.constant 7 : i32
      %dma_wait3A_521 = arith.constant 0 : i32
      %dma_wait3A_522 = arith.constant 0 : i32
      %dma_wait3A_523 = tpu.memref_slice %arg12[%dma_wait3A_520, %dma_wait3A_521, %dma_wait3A_522] : memref<8x64x128xf32, #tpu.memory_space<vmem>> -> memref<1x64x128xf32, #tpu.memory_space<vmem>>
      %dma_wait3A_524 = tpu.memref_squeeze %dma_wait3A_523 : memref<1x64x128xf32, #tpu.memory_space<vmem>> -> memref<64x128xf32, #tpu.memory_space<vmem>>
      %dma_wait3A_525 = tpu.memref_slice %arg9[%mul3A_519] : memref<8192xi32, #tpu.memory_space<vmem>> -> memref<64xi32, #tpu.memory_space<vmem>>
      %dma_wait3A_526 = arith.constant 0 : i32
      %dma_wait3A_527 = arith.constant 0 : i32
      %dma_wait3A_528 = tpu.memref_slice %arg2[%dma_wait3A_526, %dma_wait3A_527] : memref<262144x128xf32, #tpu.memory_space<hbm>> -> memref<262144x128xf32, #tpu.memory_space<hbm>>
      tpu.wait_indirect_dma semaphore(%arg20 : memref<!tpu.dma_semaphore, #tpu.memory_space<semaphore_mem>>) src(%dma_wait3A_528 : memref<262144x128xf32, #tpu.memory_space<hbm>>) dst(%dma_wait3A_524 : memref<64x128xf32, #tpu.memory_space<vmem>>)
      %add3A_529 = arith.constant 7 : i32
      %add3A_530 = arith.addi %mul3A_263, %add3A_529 : i32
      %mul3A_531 = arith.constant 8192 : i32
      %mul3A_532 = arith.muli %add3A, %mul3A_531 : i32
      %mul3A_533 = arith.constant 64 : i32
      %mul3A_534 = arith.muli %add3A_530, %mul3A_533 : i32
      %add3A_535 = arith.addi %mul3A_532, %mul3A_534 : i32
      %run_scoped3A_536 = arith.constant 7 : i32
      "tpu.region"() ({
        %run_scoped3A_553 = tpu.sem_alloc : memref<!tpu.dma_semaphore, #tpu.memory_space<semaphore_mem>>
        %dma_start3A_554 = arith.constant 0 : i32
        %dma_start3A_555 = arith.constant 0 : i32
        %dma_start3A_556 = tpu.memref_slice %arg12[%run_scoped3A_536, %dma_start3A_554, %dma_start3A_555] : memref<8x64x128xf32, #tpu.memory_space<vmem>> -> memref<1x64x128xf32, #tpu.memory_space<vmem>>
        %dma_start3A_557 = tpu.memref_squeeze %dma_start3A_556 : memref<1x64x128xf32, #tpu.memory_space<vmem>> -> memref<64x128xf32, #tpu.memory_space<vmem>>
        %dma_start3A_558 = arith.constant 0 : i32
        %dma_start3A_559 = tpu.memref_slice %arg4[%add3A_535, %dma_start3A_558] : memref<262144x128xf32, #tpu.memory_space<hbm>> -> memref<64x128xf32, #tpu.memory_space<hbm>>
        %dma_start3A_560 = arith.constant 0 : i32
        %dma_start3A_561 = tpu.memref_slice %arg4[%add3A_535, %dma_start3A_560] : memref<262144x128xf32, #tpu.memory_space<hbm>> -> memref<64x128xf32, #tpu.memory_space<hbm>>
        %dma_start3A_562 = arith.constant 0 : i32
        %dma_start3A_563 = arith.constant 0 : i32
        %dma_start3A_564 = tpu.memref_slice %arg12[%run_scoped3A_536, %dma_start3A_562, %dma_start3A_563] : memref<8x64x128xf32, #tpu.memory_space<vmem>> -> memref<1x64x128xf32, #tpu.memory_space<vmem>>
        %dma_start3A_565 = tpu.memref_squeeze %dma_start3A_564 : memref<1x64x128xf32, #tpu.memory_space<vmem>> -> memref<64x128xf32, #tpu.memory_space<vmem>>
        tpu.enqueue_dma source(%dma_start3A_565 : memref<64x128xf32, #tpu.memory_space<vmem>>) target(%dma_start3A_561 : memref<64x128xf32, #tpu.memory_space<hbm>>) target_semaphore(%run_scoped3A_553 : memref<!tpu.dma_semaphore, #tpu.memory_space<semaphore_mem>>)
        %dma_wait3A_566 = arith.constant 0 : i32
        %dma_wait3A_567 = arith.constant 0 : i32
        %dma_wait3A_568 = tpu.memref_slice %arg12[%run_scoped3A_536, %dma_wait3A_566, %dma_wait3A_567] : memref<8x64x128xf32, #tpu.memory_space<vmem>> -> memref<1x64x128xf32, #tpu.memory_space<vmem>>
        %dma_wait3A_569 = tpu.memref_squeeze %dma_wait3A_568 : memref<1x64x128xf32, #tpu.memory_space<vmem>> -> memref<64x128xf32, #tpu.memory_space<vmem>>
        %dma_wait3A_570 = arith.constant 0 : i32
        %dma_wait3A_571 = tpu.memref_slice %arg4[%add3A_535, %dma_wait3A_570] : memref<262144x128xf32, #tpu.memory_space<hbm>> -> memref<64x128xf32, #tpu.memory_space<hbm>>
        %dma_wait3A_572 = arith.constant 0 : i32
        %dma_wait3A_573 = tpu.memref_slice %arg4[%add3A_535, %dma_wait3A_572] : memref<262144x128xf32, #tpu.memory_space<hbm>> -> memref<64x128xf32, #tpu.memory_space<hbm>>
        %dma_wait3A_574 = arith.constant 0 : i32
        %dma_wait3A_575 = arith.constant 0 : i32
        %dma_wait3A_576 = tpu.memref_slice %arg12[%run_scoped3A_536, %dma_wait3A_574, %dma_wait3A_575] : memref<8x64x128xf32, #tpu.memory_space<vmem>> -> memref<1x64x128xf32, #tpu.memory_space<vmem>>
        %dma_wait3A_577 = tpu.memref_squeeze %dma_wait3A_576 : memref<1x64x128xf32, #tpu.memory_space<vmem>> -> memref<64x128xf32, #tpu.memory_space<vmem>>
        tpu.wait_dma2 semaphore(%run_scoped3A_553 : memref<!tpu.dma_semaphore, #tpu.memory_space<semaphore_mem>>) src(%dma_wait3A_577 : memref<64x128xf32, #tpu.memory_space<vmem>>) dst(%dma_wait3A_573 : memref<64x128xf32, #tpu.memory_space<hbm>>)
        tpu.yield
      }) : () -> ()
      %add3A_537 = arith.constant 7 : i32
      %add3A_538 = arith.addi %mul3A_263, %add3A_537 : i32
      %add3A_539 = arith.constant 8 : i32
      %add3A_540 = arith.addi %add3A_538, %add3A_539 : i32
      %mul3A_541 = arith.constant 64 : i32
      %mul3A_542 = arith.muli %add3A_540, %mul3A_541 : i32
      %dma_start3A_543 = arith.constant 7 : i32
      %dma_start3A_544 = arith.constant 0 : i32
      %dma_start3A_545 = arith.constant 0 : i32
      %dma_start3A_546 = tpu.memref_slice %arg12[%dma_start3A_543, %dma_start3A_544, %dma_start3A_545] : memref<8x64x128xf32, #tpu.memory_space<vmem>> -> memref<1x64x128xf32, #tpu.memory_space<vmem>>
      %dma_start3A_547 = tpu.memref_squeeze %dma_start3A_546 : memref<1x64x128xf32, #tpu.memory_space<vmem>> -> memref<64x128xf32, #tpu.memory_space<vmem>>
      %dma_start3A_548 = tpu.memref_slice %arg9[%mul3A_542] : memref<8192xi32, #tpu.memory_space<vmem>> -> memref<64xi32, #tpu.memory_space<vmem>>
      %dma_start3A_549 = arith.constant 0 : i32
      %dma_start3A_550 = arith.constant 0 : i32
      %dma_start3A_551 = tpu.memref_slice %arg2[%dma_start3A_549, %dma_start3A_550] : memref<262144x128xf32, #tpu.memory_space<hbm>> -> memref<262144x128xf32, #tpu.memory_space<hbm>>
      tpu.enqueue_indirect_dma source(%dma_start3A_551 : memref<262144x128xf32, #tpu.memory_space<hbm>>) target(%dma_start3A_547 : memref<64x128xf32, #tpu.memory_space<vmem>>) offsets(%dma_start3A_548 : memref<64xi32, #tpu.memory_space<vmem>>) semaphore(%arg20 : memref<!tpu.dma_semaphore, #tpu.memory_space<semaphore_mem>>)
      %scan3A_552 = arith.constant 0 : i32
      scf.yield %scan3A_552 : i32
    }
    %scan3A_141 = arith.constant 15 : i32
    %dma_wait3A = arith.constant 0 : i32
    %dma_wait3A_142 = arith.constant 0 : i32
    %dma_wait3A_143 = arith.constant 0 : i32
    %dma_wait3A_144 = tpu.memref_slice %arg12[%dma_wait3A, %dma_wait3A_142, %dma_wait3A_143] : memref<8x64x128xf32, #tpu.memory_space<vmem>> -> memref<1x64x128xf32, #tpu.memory_space<vmem>>
    %dma_wait3A_145 = tpu.memref_squeeze %dma_wait3A_144 : memref<1x64x128xf32, #tpu.memory_space<vmem>> -> memref<64x128xf32, #tpu.memory_space<vmem>>
    %dma_wait3A_146 = arith.constant 7680 : i32
    %dma_wait3A_147 = tpu.memref_slice %arg9[%dma_wait3A_146] : memref<8192xi32, #tpu.memory_space<vmem>> -> memref<64xi32, #tpu.memory_space<vmem>>
    %dma_wait3A_148 = arith.constant 0 : i32
    %dma_wait3A_149 = arith.constant 0 : i32
    %dma_wait3A_150 = tpu.memref_slice %arg2[%dma_wait3A_148, %dma_wait3A_149] : memref<262144x128xf32, #tpu.memory_space<hbm>> -> memref<262144x128xf32, #tpu.memory_space<hbm>>
    tpu.wait_indirect_dma semaphore(%arg13 : memref<!tpu.dma_semaphore, #tpu.memory_space<semaphore_mem>>) src(%dma_wait3A_150 : memref<262144x128xf32, #tpu.memory_space<hbm>>) dst(%dma_wait3A_145 : memref<64x128xf32, #tpu.memory_space<vmem>>)
    %mul3A_151 = arith.constant 8192 : i32
    %mul3A_152 = arith.muli %add3A, %mul3A_151 : i32
    %add3A_153 = arith.constant 7680 : i32
    %add3A_154 = arith.addi %mul3A_152, %add3A_153 : i32
    %run_scoped3A = arith.constant 0 : i32
    "tpu.region"() ({
      %run_scoped3A_260 = tpu.sem_alloc : memref<!tpu.dma_semaphore, #tpu.memory_space<semaphore_mem>>
      %dma_start3A_261 = arith.constant 0 : i32
      %dma_start3A_262 = arith.constant 0 : i32
      %dma_start3A_263 = tpu.memref_slice %arg12[%run_scoped3A, %dma_start3A_261, %dma_start3A_262] : memref<8x64x128xf32, #tpu.memory_space<vmem>> -> memref<1x64x128xf32, #tpu.memory_space<vmem>>
      %dma_start3A_264 = tpu.memref_squeeze %dma_start3A_263 : memref<1x64x128xf32, #tpu.memory_space<vmem>> -> memref<64x128xf32, #tpu.memory_space<vmem>>
      %dma_start3A_265 = arith.constant 0 : i32
      %dma_start3A_266 = tpu.memref_slice %arg4[%add3A_154, %dma_start3A_265] : memref<262144x128xf32, #tpu.memory_space<hbm>> -> memref<64x128xf32, #tpu.memory_space<hbm>>
      %dma_start3A_267 = arith.constant 0 : i32
      %dma_start3A_268 = tpu.memref_slice %arg4[%add3A_154, %dma_start3A_267] : memref<262144x128xf32, #tpu.memory_space<hbm>> -> memref<64x128xf32, #tpu.memory_space<hbm>>
      %dma_start3A_269 = arith.constant 0 : i32
      %dma_start3A_270 = arith.constant 0 : i32
      %dma_start3A_271 = tpu.memref_slice %arg12[%run_scoped3A, %dma_start3A_269, %dma_start3A_270] : memref<8x64x128xf32, #tpu.memory_space<vmem>> -> memref<1x64x128xf32, #tpu.memory_space<vmem>>
      %dma_start3A_272 = tpu.memref_squeeze %dma_start3A_271 : memref<1x64x128xf32, #tpu.memory_space<vmem>> -> memref<64x128xf32, #tpu.memory_space<vmem>>
      tpu.enqueue_dma source(%dma_start3A_272 : memref<64x128xf32, #tpu.memory_space<vmem>>) target(%dma_start3A_268 : memref<64x128xf32, #tpu.memory_space<hbm>>) target_semaphore(%run_scoped3A_260 : memref<!tpu.dma_semaphore, #tpu.memory_space<semaphore_mem>>)
      %dma_wait3A_273 = arith.constant 0 : i32
      %dma_wait3A_274 = arith.constant 0 : i32
      %dma_wait3A_275 = tpu.memref_slice %arg12[%run_scoped3A, %dma_wait3A_273, %dma_wait3A_274] : memref<8x64x128xf32, #tpu.memory_space<vmem>> -> memref<1x64x128xf32, #tpu.memory_space<vmem>>
      %dma_wait3A_276 = tpu.memref_squeeze %dma_wait3A_275 : memref<1x64x128xf32, #tpu.memory_space<vmem>> -> memref<64x128xf32, #tpu.memory_space<vmem>>
      %dma_wait3A_277 = arith.constant 0 : i32
      %dma_wait3A_278 = tpu.memref_slice %arg4[%add3A_154, %dma_wait3A_277] : memref<262144x128xf32, #tpu.memory_space<hbm>> -> memref<64x128xf32, #tpu.memory_space<hbm>>
      %dma_wait3A_279 = arith.constant 0 : i32
      %dma_wait3A_280 = tpu.memref_slice %arg4[%add3A_154, %dma_wait3A_279] : memref<262144x128xf32, #tpu.memory_space<hbm>> -> memref<64x128xf32, #tpu.memory_space<hbm>>
      %dma_wait3A_281 = arith.constant 0 : i32
      %dma_wait3A_282 = arith.constant 0 : i32
      %dma_wait3A_283 = tpu.memref_slice %arg12[%run_scoped3A, %dma_wait3A_281, %dma_wait3A_282] : memref<8x64x128xf32, #tpu.memory_space<vmem>> -> memref<1x64x128xf32, #tpu.memory_space<vmem>>
      %dma_wait3A_284 = tpu.memref_squeeze %dma_wait3A_283 : memref<1x64x128xf32, #tpu.memory_space<vmem>> -> memref<64x128xf32, #tpu.memory_space<vmem>>
      tpu.wait_dma2 semaphore(%run_scoped3A_260 : memref<!tpu.dma_semaphore, #tpu.memory_space<semaphore_mem>>) src(%dma_wait3A_284 : memref<64x128xf32, #tpu.memory_space<vmem>>) dst(%dma_wait3A_280 : memref<64x128xf32, #tpu.memory_space<hbm>>)
      tpu.yield
    }) : () -> ()
    %dma_wait3A_155 = arith.constant 1 : i32
    %dma_wait3A_156 = arith.constant 0 : i32
    %dma_wait3A_157 = arith.constant 0 : i32
    %dma_wait3A_158 = tpu.memref_slice %arg12[%dma_wait3A_155, %dma_wait3A_156, %dma_wait3A_157] : memref<8x64x128xf32, #tpu.memory_space<vmem>> -> memref<1x64x128xf32, #tpu.memory_space<vmem>>
    %dma_wait3A_159 = tpu.memref_squeeze %dma_wait3A_158 : memref<1x64x128xf32, #tpu.memory_space<vmem>> -> memref<64x128xf32, #tpu.memory_space<vmem>>
    %dma_wait3A_160 = arith.constant 7744 : i32
    %dma_wait3A_161 = tpu.memref_slice %arg9[%dma_wait3A_160] : memref<8192xi32, #tpu.memory_space<vmem>> -> memref<64xi32, #tpu.memory_space<vmem>>
    %dma_wait3A_162 = arith.constant 0 : i32
    %dma_wait3A_163 = arith.constant 0 : i32
    %dma_wait3A_164 = tpu.memref_slice %arg2[%dma_wait3A_162, %dma_wait3A_163] : memref<262144x128xf32, #tpu.memory_space<hbm>> -> memref<262144x128xf32, #tpu.memory_space<hbm>>
    tpu.wait_indirect_dma semaphore(%arg14 : memref<!tpu.dma_semaphore, #tpu.memory_space<semaphore_mem>>) src(%dma_wait3A_164 : memref<262144x128xf32, #tpu.memory_space<hbm>>) dst(%dma_wait3A_159 : memref<64x128xf32, #tpu.memory_space<vmem>>)
    %mul3A_165 = arith.constant 8192 : i32
    %mul3A_166 = arith.muli %add3A, %mul3A_165 : i32
    %add3A_167 = arith.constant 7744 : i32
    %add3A_168 = arith.addi %mul3A_166, %add3A_167 : i32
    %run_scoped3A_169 = arith.constant 1 : i32
    "tpu.region"() ({
      %run_scoped3A_260 = tpu.sem_alloc : memref<!tpu.dma_semaphore, #tpu.memory_space<semaphore_mem>>
      %dma_start3A_261 = arith.constant 0 : i32
      %dma_start3A_262 = arith.constant 0 : i32
      %dma_start3A_263 = tpu.memref_slice %arg12[%run_scoped3A_169, %dma_start3A_261, %dma_start3A_262] : memref<8x64x128xf32, #tpu.memory_space<vmem>> -> memref<1x64x128xf32, #tpu.memory_space<vmem>>
      %dma_start3A_264 = tpu.memref_squeeze %dma_start3A_263 : memref<1x64x128xf32, #tpu.memory_space<vmem>> -> memref<64x128xf32, #tpu.memory_space<vmem>>
      %dma_start3A_265 = arith.constant 0 : i32
      %dma_start3A_266 = tpu.memref_slice %arg4[%add3A_168, %dma_start3A_265] : memref<262144x128xf32, #tpu.memory_space<hbm>> -> memref<64x128xf32, #tpu.memory_space<hbm>>
      %dma_start3A_267 = arith.constant 0 : i32
      %dma_start3A_268 = tpu.memref_slice %arg4[%add3A_168, %dma_start3A_267] : memref<262144x128xf32, #tpu.memory_space<hbm>> -> memref<64x128xf32, #tpu.memory_space<hbm>>
      %dma_start3A_269 = arith.constant 0 : i32
      %dma_start3A_270 = arith.constant 0 : i32
      %dma_start3A_271 = tpu.memref_slice %arg12[%run_scoped3A_169, %dma_start3A_269, %dma_start3A_270] : memref<8x64x128xf32, #tpu.memory_space<vmem>> -> memref<1x64x128xf32, #tpu.memory_space<vmem>>
      %dma_start3A_272 = tpu.memref_squeeze %dma_start3A_271 : memref<1x64x128xf32, #tpu.memory_space<vmem>> -> memref<64x128xf32, #tpu.memory_space<vmem>>
      tpu.enqueue_dma source(%dma_start3A_272 : memref<64x128xf32, #tpu.memory_space<vmem>>) target(%dma_start3A_268 : memref<64x128xf32, #tpu.memory_space<hbm>>) target_semaphore(%run_scoped3A_260 : memref<!tpu.dma_semaphore, #tpu.memory_space<semaphore_mem>>)
      %dma_wait3A_273 = arith.constant 0 : i32
      %dma_wait3A_274 = arith.constant 0 : i32
      %dma_wait3A_275 = tpu.memref_slice %arg12[%run_scoped3A_169, %dma_wait3A_273, %dma_wait3A_274] : memref<8x64x128xf32, #tpu.memory_space<vmem>> -> memref<1x64x128xf32, #tpu.memory_space<vmem>>
      %dma_wait3A_276 = tpu.memref_squeeze %dma_wait3A_275 : memref<1x64x128xf32, #tpu.memory_space<vmem>> -> memref<64x128xf32, #tpu.memory_space<vmem>>
      %dma_wait3A_277 = arith.constant 0 : i32
      %dma_wait3A_278 = tpu.memref_slice %arg4[%add3A_168, %dma_wait3A_277] : memref<262144x128xf32, #tpu.memory_space<hbm>> -> memref<64x128xf32, #tpu.memory_space<hbm>>
      %dma_wait3A_279 = arith.constant 0 : i32
      %dma_wait3A_280 = tpu.memref_slice %arg4[%add3A_168, %dma_wait3A_279] : memref<262144x128xf32, #tpu.memory_space<hbm>> -> memref<64x128xf32, #tpu.memory_space<hbm>>
      %dma_wait3A_281 = arith.constant 0 : i32
      %dma_wait3A_282 = arith.constant 0 : i32
      %dma_wait3A_283 = tpu.memref_slice %arg12[%run_scoped3A_169, %dma_wait3A_281, %dma_wait3A_282] : memref<8x64x128xf32, #tpu.memory_space<vmem>> -> memref<1x64x128xf32, #tpu.memory_space<vmem>>
      %dma_wait3A_284 = tpu.memref_squeeze %dma_wait3A_283 : memref<1x64x128xf32, #tpu.memory_space<vmem>> -> memref<64x128xf32, #tpu.memory_space<vmem>>
      tpu.wait_dma2 semaphore(%run_scoped3A_260 : memref<!tpu.dma_semaphore, #tpu.memory_space<semaphore_mem>>) src(%dma_wait3A_284 : memref<64x128xf32, #tpu.memory_space<vmem>>) dst(%dma_wait3A_280 : memref<64x128xf32, #tpu.memory_space<hbm>>)
      tpu.yield
    }) : () -> ()
    %dma_wait3A_170 = arith.constant 2 : i32
    %dma_wait3A_171 = arith.constant 0 : i32
    %dma_wait3A_172 = arith.constant 0 : i32
    %dma_wait3A_173 = tpu.memref_slice %arg12[%dma_wait3A_170, %dma_wait3A_171, %dma_wait3A_172] : memref<8x64x128xf32, #tpu.memory_space<vmem>> -> memref<1x64x128xf32, #tpu.memory_space<vmem>>
    %dma_wait3A_174 = tpu.memref_squeeze %dma_wait3A_173 : memref<1x64x128xf32, #tpu.memory_space<vmem>> -> memref<64x128xf32, #tpu.memory_space<vmem>>
    %dma_wait3A_175 = arith.constant 7808 : i32
    %dma_wait3A_176 = tpu.memref_slice %arg9[%dma_wait3A_175] : memref<8192xi32, #tpu.memory_space<vmem>> -> memref<64xi32, #tpu.memory_space<vmem>>
    %dma_wait3A_177 = arith.constant 0 : i32
    %dma_wait3A_178 = arith.constant 0 : i32
    %dma_wait3A_179 = tpu.memref_slice %arg2[%dma_wait3A_177, %dma_wait3A_178] : memref<262144x128xf32, #tpu.memory_space<hbm>> -> memref<262144x128xf32, #tpu.memory_space<hbm>>
    tpu.wait_indirect_dma semaphore(%arg15 : memref<!tpu.dma_semaphore, #tpu.memory_space<semaphore_mem>>) src(%dma_wait3A_179 : memref<262144x128xf32, #tpu.memory_space<hbm>>) dst(%dma_wait3A_174 : memref<64x128xf32, #tpu.memory_space<vmem>>)
    %mul3A_180 = arith.constant 8192 : i32
    %mul3A_181 = arith.muli %add3A, %mul3A_180 : i32
    %add3A_182 = arith.constant 7808 : i32
    %add3A_183 = arith.addi %mul3A_181, %add3A_182 : i32
    %run_scoped3A_184 = arith.constant 2 : i32
    "tpu.region"() ({
      %run_scoped3A_260 = tpu.sem_alloc : memref<!tpu.dma_semaphore, #tpu.memory_space<semaphore_mem>>
      %dma_start3A_261 = arith.constant 0 : i32
      %dma_start3A_262 = arith.constant 0 : i32
      %dma_start3A_263 = tpu.memref_slice %arg12[%run_scoped3A_184, %dma_start3A_261, %dma_start3A_262] : memref<8x64x128xf32, #tpu.memory_space<vmem>> -> memref<1x64x128xf32, #tpu.memory_space<vmem>>
      %dma_start3A_264 = tpu.memref_squeeze %dma_start3A_263 : memref<1x64x128xf32, #tpu.memory_space<vmem>> -> memref<64x128xf32, #tpu.memory_space<vmem>>
      %dma_start3A_265 = arith.constant 0 : i32
      %dma_start3A_266 = tpu.memref_slice %arg4[%add3A_183, %dma_start3A_265] : memref<262144x128xf32, #tpu.memory_space<hbm>> -> memref<64x128xf32, #tpu.memory_space<hbm>>
      %dma_start3A_267 = arith.constant 0 : i32
      %dma_start3A_268 = tpu.memref_slice %arg4[%add3A_183, %dma_start3A_267] : memref<262144x128xf32, #tpu.memory_space<hbm>> -> memref<64x128xf32, #tpu.memory_space<hbm>>
      %dma_start3A_269 = arith.constant 0 : i32
      %dma_start3A_270 = arith.constant 0 : i32
      %dma_start3A_271 = tpu.memref_slice %arg12[%run_scoped3A_184, %dma_start3A_269, %dma_start3A_270] : memref<8x64x128xf32, #tpu.memory_space<vmem>> -> memref<1x64x128xf32, #tpu.memory_space<vmem>>
      %dma_start3A_272 = tpu.memref_squeeze %dma_start3A_271 : memref<1x64x128xf32, #tpu.memory_space<vmem>> -> memref<64x128xf32, #tpu.memory_space<vmem>>
      tpu.enqueue_dma source(%dma_start3A_272 : memref<64x128xf32, #tpu.memory_space<vmem>>) target(%dma_start3A_268 : memref<64x128xf32, #tpu.memory_space<hbm>>) target_semaphore(%run_scoped3A_260 : memref<!tpu.dma_semaphore, #tpu.memory_space<semaphore_mem>>)
      %dma_wait3A_273 = arith.constant 0 : i32
      %dma_wait3A_274 = arith.constant 0 : i32
      %dma_wait3A_275 = tpu.memref_slice %arg12[%run_scoped3A_184, %dma_wait3A_273, %dma_wait3A_274] : memref<8x64x128xf32, #tpu.memory_space<vmem>> -> memref<1x64x128xf32, #tpu.memory_space<vmem>>
      %dma_wait3A_276 = tpu.memref_squeeze %dma_wait3A_275 : memref<1x64x128xf32, #tpu.memory_space<vmem>> -> memref<64x128xf32, #tpu.memory_space<vmem>>
      %dma_wait3A_277 = arith.constant 0 : i32
      %dma_wait3A_278 = tpu.memref_slice %arg4[%add3A_183, %dma_wait3A_277] : memref<262144x128xf32, #tpu.memory_space<hbm>> -> memref<64x128xf32, #tpu.memory_space<hbm>>
      %dma_wait3A_279 = arith.constant 0 : i32
      %dma_wait3A_280 = tpu.memref_slice %arg4[%add3A_183, %dma_wait3A_279] : memref<262144x128xf32, #tpu.memory_space<hbm>> -> memref<64x128xf32, #tpu.memory_space<hbm>>
      %dma_wait3A_281 = arith.constant 0 : i32
      %dma_wait3A_282 = arith.constant 0 : i32
      %dma_wait3A_283 = tpu.memref_slice %arg12[%run_scoped3A_184, %dma_wait3A_281, %dma_wait3A_282] : memref<8x64x128xf32, #tpu.memory_space<vmem>> -> memref<1x64x128xf32, #tpu.memory_space<vmem>>
      %dma_wait3A_284 = tpu.memref_squeeze %dma_wait3A_283 : memref<1x64x128xf32, #tpu.memory_space<vmem>> -> memref<64x128xf32, #tpu.memory_space<vmem>>
      tpu.wait_dma2 semaphore(%run_scoped3A_260 : memref<!tpu.dma_semaphore, #tpu.memory_space<semaphore_mem>>) src(%dma_wait3A_284 : memref<64x128xf32, #tpu.memory_space<vmem>>) dst(%dma_wait3A_280 : memref<64x128xf32, #tpu.memory_space<hbm>>)
      tpu.yield
    }) : () -> ()
    %dma_wait3A_185 = arith.constant 3 : i32
    %dma_wait3A_186 = arith.constant 0 : i32
    %dma_wait3A_187 = arith.constant 0 : i32
    %dma_wait3A_188 = tpu.memref_slice %arg12[%dma_wait3A_185, %dma_wait3A_186, %dma_wait3A_187] : memref<8x64x128xf32, #tpu.memory_space<vmem>> -> memref<1x64x128xf32, #tpu.memory_space<vmem>>
    %dma_wait3A_189 = tpu.memref_squeeze %dma_wait3A_188 : memref<1x64x128xf32, #tpu.memory_space<vmem>> -> memref<64x128xf32, #tpu.memory_space<vmem>>
    %dma_wait3A_190 = arith.constant 7872 : i32
    %dma_wait3A_191 = tpu.memref_slice %arg9[%dma_wait3A_190] : memref<8192xi32, #tpu.memory_space<vmem>> -> memref<64xi32, #tpu.memory_space<vmem>>
    %dma_wait3A_192 = arith.constant 0 : i32
    %dma_wait3A_193 = arith.constant 0 : i32
    %dma_wait3A_194 = tpu.memref_slice %arg2[%dma_wait3A_192, %dma_wait3A_193] : memref<262144x128xf32, #tpu.memory_space<hbm>> -> memref<262144x128xf32, #tpu.memory_space<hbm>>
    tpu.wait_indirect_dma semaphore(%arg16 : memref<!tpu.dma_semaphore, #tpu.memory_space<semaphore_mem>>) src(%dma_wait3A_194 : memref<262144x128xf32, #tpu.memory_space<hbm>>) dst(%dma_wait3A_189 : memref<64x128xf32, #tpu.memory_space<vmem>>)
    %mul3A_195 = arith.constant 8192 : i32
    %mul3A_196 = arith.muli %add3A, %mul3A_195 : i32
    %add3A_197 = arith.constant 7872 : i32
    %add3A_198 = arith.addi %mul3A_196, %add3A_197 : i32
    %run_scoped3A_199 = arith.constant 3 : i32
    "tpu.region"() ({
      %run_scoped3A_260 = tpu.sem_alloc : memref<!tpu.dma_semaphore, #tpu.memory_space<semaphore_mem>>
      %dma_start3A_261 = arith.constant 0 : i32
      %dma_start3A_262 = arith.constant 0 : i32
      %dma_start3A_263 = tpu.memref_slice %arg12[%run_scoped3A_199, %dma_start3A_261, %dma_start3A_262] : memref<8x64x128xf32, #tpu.memory_space<vmem>> -> memref<1x64x128xf32, #tpu.memory_space<vmem>>
      %dma_start3A_264 = tpu.memref_squeeze %dma_start3A_263 : memref<1x64x128xf32, #tpu.memory_space<vmem>> -> memref<64x128xf32, #tpu.memory_space<vmem>>
      %dma_start3A_265 = arith.constant 0 : i32
      %dma_start3A_266 = tpu.memref_slice %arg4[%add3A_198, %dma_start3A_265] : memref<262144x128xf32, #tpu.memory_space<hbm>> -> memref<64x128xf32, #tpu.memory_space<hbm>>
      %dma_start3A_267 = arith.constant 0 : i32
      %dma_start3A_268 = tpu.memref_slice %arg4[%add3A_198, %dma_start3A_267] : memref<262144x128xf32, #tpu.memory_space<hbm>> -> memref<64x128xf32, #tpu.memory_space<hbm>>
      %dma_start3A_269 = arith.constant 0 : i32
      %dma_start3A_270 = arith.constant 0 : i32
      %dma_start3A_271 = tpu.memref_slice %arg12[%run_scoped3A_199, %dma_start3A_269, %dma_start3A_270] : memref<8x64x128xf32, #tpu.memory_space<vmem>> -> memref<1x64x128xf32, #tpu.memory_space<vmem>>
      %dma_start3A_272 = tpu.memref_squeeze %dma_start3A_271 : memref<1x64x128xf32, #tpu.memory_space<vmem>> -> memref<64x128xf32, #tpu.memory_space<vmem>>
      tpu.enqueue_dma source(%dma_start3A_272 : memref<64x128xf32, #tpu.memory_space<vmem>>) target(%dma_start3A_268 : memref<64x128xf32, #tpu.memory_space<hbm>>) target_semaphore(%run_scoped3A_260 : memref<!tpu.dma_semaphore, #tpu.memory_space<semaphore_mem>>)
      %dma_wait3A_273 = arith.constant 0 : i32
      %dma_wait3A_274 = arith.constant 0 : i32
      %dma_wait3A_275 = tpu.memref_slice %arg12[%run_scoped3A_199, %dma_wait3A_273, %dma_wait3A_274] : memref<8x64x128xf32, #tpu.memory_space<vmem>> -> memref<1x64x128xf32, #tpu.memory_space<vmem>>
      %dma_wait3A_276 = tpu.memref_squeeze %dma_wait3A_275 : memref<1x64x128xf32, #tpu.memory_space<vmem>> -> memref<64x128xf32, #tpu.memory_space<vmem>>
      %dma_wait3A_277 = arith.constant 0 : i32
      %dma_wait3A_278 = tpu.memref_slice %arg4[%add3A_198, %dma_wait3A_277] : memref<262144x128xf32, #tpu.memory_space<hbm>> -> memref<64x128xf32, #tpu.memory_space<hbm>>
      %dma_wait3A_279 = arith.constant 0 : i32
      %dma_wait3A_280 = tpu.memref_slice %arg4[%add3A_198, %dma_wait3A_279] : memref<262144x128xf32, #tpu.memory_space<hbm>> -> memref<64x128xf32, #tpu.memory_space<hbm>>
      %dma_wait3A_281 = arith.constant 0 : i32
      %dma_wait3A_282 = arith.constant 0 : i32
      %dma_wait3A_283 = tpu.memref_slice %arg12[%run_scoped3A_199, %dma_wait3A_281, %dma_wait3A_282] : memref<8x64x128xf32, #tpu.memory_space<vmem>> -> memref<1x64x128xf32, #tpu.memory_space<vmem>>
      %dma_wait3A_284 = tpu.memref_squeeze %dma_wait3A_283 : memref<1x64x128xf32, #tpu.memory_space<vmem>> -> memref<64x128xf32, #tpu.memory_space<vmem>>
      tpu.wait_dma2 semaphore(%run_scoped3A_260 : memref<!tpu.dma_semaphore, #tpu.memory_space<semaphore_mem>>) src(%dma_wait3A_284 : memref<64x128xf32, #tpu.memory_space<vmem>>) dst(%dma_wait3A_280 : memref<64x128xf32, #tpu.memory_space<hbm>>)
      tpu.yield
    }) : () -> ()
    %dma_wait3A_200 = arith.constant 4 : i32
    %dma_wait3A_201 = arith.constant 0 : i32
    %dma_wait3A_202 = arith.constant 0 : i32
    %dma_wait3A_203 = tpu.memref_slice %arg12[%dma_wait3A_200, %dma_wait3A_201, %dma_wait3A_202] : memref<8x64x128xf32, #tpu.memory_space<vmem>> -> memref<1x64x128xf32, #tpu.memory_space<vmem>>
    %dma_wait3A_204 = tpu.memref_squeeze %dma_wait3A_203 : memref<1x64x128xf32, #tpu.memory_space<vmem>> -> memref<64x128xf32, #tpu.memory_space<vmem>>
    %dma_wait3A_205 = arith.constant 7936 : i32
    %dma_wait3A_206 = tpu.memref_slice %arg9[%dma_wait3A_205] : memref<8192xi32, #tpu.memory_space<vmem>> -> memref<64xi32, #tpu.memory_space<vmem>>
    %dma_wait3A_207 = arith.constant 0 : i32
    %dma_wait3A_208 = arith.constant 0 : i32
    %dma_wait3A_209 = tpu.memref_slice %arg2[%dma_wait3A_207, %dma_wait3A_208] : memref<262144x128xf32, #tpu.memory_space<hbm>> -> memref<262144x128xf32, #tpu.memory_space<hbm>>
    tpu.wait_indirect_dma semaphore(%arg17 : memref<!tpu.dma_semaphore, #tpu.memory_space<semaphore_mem>>) src(%dma_wait3A_209 : memref<262144x128xf32, #tpu.memory_space<hbm>>) dst(%dma_wait3A_204 : memref<64x128xf32, #tpu.memory_space<vmem>>)
    %mul3A_210 = arith.constant 8192 : i32
    %mul3A_211 = arith.muli %add3A, %mul3A_210 : i32
    %add3A_212 = arith.constant 7936 : i32
    %add3A_213 = arith.addi %mul3A_211, %add3A_212 : i32
    %run_scoped3A_214 = arith.constant 4 : i32
    "tpu.region"() ({
      %run_scoped3A_260 = tpu.sem_alloc : memref<!tpu.dma_semaphore, #tpu.memory_space<semaphore_mem>>
      %dma_start3A_261 = arith.constant 0 : i32
      %dma_start3A_262 = arith.constant 0 : i32
      %dma_start3A_263 = tpu.memref_slice %arg12[%run_scoped3A_214, %dma_start3A_261, %dma_start3A_262] : memref<8x64x128xf32, #tpu.memory_space<vmem>> -> memref<1x64x128xf32, #tpu.memory_space<vmem>>
      %dma_start3A_264 = tpu.memref_squeeze %dma_start3A_263 : memref<1x64x128xf32, #tpu.memory_space<vmem>> -> memref<64x128xf32, #tpu.memory_space<vmem>>
      %dma_start3A_265 = arith.constant 0 : i32
      %dma_start3A_266 = tpu.memref_slice %arg4[%add3A_213, %dma_start3A_265] : memref<262144x128xf32, #tpu.memory_space<hbm>> -> memref<64x128xf32, #tpu.memory_space<hbm>>
      %dma_start3A_267 = arith.constant 0 : i32
      %dma_start3A_268 = tpu.memref_slice %arg4[%add3A_213, %dma_start3A_267] : memref<262144x128xf32, #tpu.memory_space<hbm>> -> memref<64x128xf32, #tpu.memory_space<hbm>>
      %dma_start3A_269 = arith.constant 0 : i32
      %dma_start3A_270 = arith.constant 0 : i32
      %dma_start3A_271 = tpu.memref_slice %arg12[%run_scoped3A_214, %dma_start3A_269, %dma_start3A_270] : memref<8x64x128xf32, #tpu.memory_space<vmem>> -> memref<1x64x128xf32, #tpu.memory_space<vmem>>
      %dma_start3A_272 = tpu.memref_squeeze %dma_start3A_271 : memref<1x64x128xf32, #tpu.memory_space<vmem>> -> memref<64x128xf32, #tpu.memory_space<vmem>>
      tpu.enqueue_dma source(%dma_start3A_272 : memref<64x128xf32, #tpu.memory_space<vmem>>) target(%dma_start3A_268 : memref<64x128xf32, #tpu.memory_space<hbm>>) target_semaphore(%run_scoped3A_260 : memref<!tpu.dma_semaphore, #tpu.memory_space<semaphore_mem>>)
      %dma_wait3A_273 = arith.constant 0 : i32
      %dma_wait3A_274 = arith.constant 0 : i32
      %dma_wait3A_275 = tpu.memref_slice %arg12[%run_scoped3A_214, %dma_wait3A_273, %dma_wait3A_274] : memref<8x64x128xf32, #tpu.memory_space<vmem>> -> memref<1x64x128xf32, #tpu.memory_space<vmem>>
      %dma_wait3A_276 = tpu.memref_squeeze %dma_wait3A_275 : memref<1x64x128xf32, #tpu.memory_space<vmem>> -> memref<64x128xf32, #tpu.memory_space<vmem>>
      %dma_wait3A_277 = arith.constant 0 : i32
      %dma_wait3A_278 = tpu.memref_slice %arg4[%add3A_213, %dma_wait3A_277] : memref<262144x128xf32, #tpu.memory_space<hbm>> -> memref<64x128xf32, #tpu.memory_space<hbm>>
      %dma_wait3A_279 = arith.constant 0 : i32
      %dma_wait3A_280 = tpu.memref_slice %arg4[%add3A_213, %dma_wait3A_279] : memref<262144x128xf32, #tpu.memory_space<hbm>> -> memref<64x128xf32, #tpu.memory_space<hbm>>
      %dma_wait3A_281 = arith.constant 0 : i32
      %dma_wait3A_282 = arith.constant 0 : i32
      %dma_wait3A_283 = tpu.memref_slice %arg12[%run_scoped3A_214, %dma_wait3A_281, %dma_wait3A_282] : memref<8x64x128xf32, #tpu.memory_space<vmem>> -> memref<1x64x128xf32, #tpu.memory_space<vmem>>
      %dma_wait3A_284 = tpu.memref_squeeze %dma_wait3A_283 : memref<1x64x128xf32, #tpu.memory_space<vmem>> -> memref<64x128xf32, #tpu.memory_space<vmem>>
      tpu.wait_dma2 semaphore(%run_scoped3A_260 : memref<!tpu.dma_semaphore, #tpu.memory_space<semaphore_mem>>) src(%dma_wait3A_284 : memref<64x128xf32, #tpu.memory_space<vmem>>) dst(%dma_wait3A_280 : memref<64x128xf32, #tpu.memory_space<hbm>>)
      tpu.yield
    }) : () -> ()
    %dma_wait3A_215 = arith.constant 5 : i32
    %dma_wait3A_216 = arith.constant 0 : i32
    %dma_wait3A_217 = arith.constant 0 : i32
    %dma_wait3A_218 = tpu.memref_slice %arg12[%dma_wait3A_215, %dma_wait3A_216, %dma_wait3A_217] : memref<8x64x128xf32, #tpu.memory_space<vmem>> -> memref<1x64x128xf32, #tpu.memory_space<vmem>>
    %dma_wait3A_219 = tpu.memref_squeeze %dma_wait3A_218 : memref<1x64x128xf32, #tpu.memory_space<vmem>> -> memref<64x128xf32, #tpu.memory_space<vmem>>
    %dma_wait3A_220 = arith.constant 8000 : i32
    %dma_wait3A_221 = tpu.memref_slice %arg9[%dma_wait3A_220] : memref<8192xi32, #tpu.memory_space<vmem>> -> memref<64xi32, #tpu.memory_space<vmem>>
    %dma_wait3A_222 = arith.constant 0 : i32
    %dma_wait3A_223 = arith.constant 0 : i32
    %dma_wait3A_224 = tpu.memref_slice %arg2[%dma_wait3A_222, %dma_wait3A_223] : memref<262144x128xf32, #tpu.memory_space<hbm>> -> memref<262144x128xf32, #tpu.memory_space<hbm>>
    tpu.wait_indirect_dma semaphore(%arg18 : memref<!tpu.dma_semaphore, #tpu.memory_space<semaphore_mem>>) src(%dma_wait3A_224 : memref<262144x128xf32, #tpu.memory_space<hbm>>) dst(%dma_wait3A_219 : memref<64x128xf32, #tpu.memory_space<vmem>>)
    %mul3A_225 = arith.constant 8192 : i32
    %mul3A_226 = arith.muli %add3A, %mul3A_225 : i32
    %add3A_227 = arith.constant 8000 : i32
    %add3A_228 = arith.addi %mul3A_226, %add3A_227 : i32
    %run_scoped3A_229 = arith.constant 5 : i32
    "tpu.region"() ({
      %run_scoped3A_260 = tpu.sem_alloc : memref<!tpu.dma_semaphore, #tpu.memory_space<semaphore_mem>>
      %dma_start3A_261 = arith.constant 0 : i32
      %dma_start3A_262 = arith.constant 0 : i32
      %dma_start3A_263 = tpu.memref_slice %arg12[%run_scoped3A_229, %dma_start3A_261, %dma_start3A_262] : memref<8x64x128xf32, #tpu.memory_space<vmem>> -> memref<1x64x128xf32, #tpu.memory_space<vmem>>
      %dma_start3A_264 = tpu.memref_squeeze %dma_start3A_263 : memref<1x64x128xf32, #tpu.memory_space<vmem>> -> memref<64x128xf32, #tpu.memory_space<vmem>>
      %dma_start3A_265 = arith.constant 0 : i32
      %dma_start3A_266 = tpu.memref_slice %arg4[%add3A_228, %dma_start3A_265] : memref<262144x128xf32, #tpu.memory_space<hbm>> -> memref<64x128xf32, #tpu.memory_space<hbm>>
      %dma_start3A_267 = arith.constant 0 : i32
      %dma_start3A_268 = tpu.memref_slice %arg4[%add3A_228, %dma_start3A_267] : memref<262144x128xf32, #tpu.memory_space<hbm>> -> memref<64x128xf32, #tpu.memory_space<hbm>>
      %dma_start3A_269 = arith.constant 0 : i32
      %dma_start3A_270 = arith.constant 0 : i32
      %dma_start3A_271 = tpu.memref_slice %arg12[%run_scoped3A_229, %dma_start3A_269, %dma_start3A_270] : memref<8x64x128xf32, #tpu.memory_space<vmem>> -> memref<1x64x128xf32, #tpu.memory_space<vmem>>
      %dma_start3A_272 = tpu.memref_squeeze %dma_start3A_271 : memref<1x64x128xf32, #tpu.memory_space<vmem>> -> memref<64x128xf32, #tpu.memory_space<vmem>>
      tpu.enqueue_dma source(%dma_start3A_272 : memref<64x128xf32, #tpu.memory_space<vmem>>) target(%dma_start3A_268 : memref<64x128xf32, #tpu.memory_space<hbm>>) target_semaphore(%run_scoped3A_260 : memref<!tpu.dma_semaphore, #tpu.memory_space<semaphore_mem>>)
      %dma_wait3A_273 = arith.constant 0 : i32
      %dma_wait3A_274 = arith.constant 0 : i32
      %dma_wait3A_275 = tpu.memref_slice %arg12[%run_scoped3A_229, %dma_wait3A_273, %dma_wait3A_274] : memref<8x64x128xf32, #tpu.memory_space<vmem>> -> memref<1x64x128xf32, #tpu.memory_space<vmem>>
      %dma_wait3A_276 = tpu.memref_squeeze %dma_wait3A_275 : memref<1x64x128xf32, #tpu.memory_space<vmem>> -> memref<64x128xf32, #tpu.memory_space<vmem>>
      %dma_wait3A_277 = arith.constant 0 : i32
      %dma_wait3A_278 = tpu.memref_slice %arg4[%add3A_228, %dma_wait3A_277] : memref<262144x128xf32, #tpu.memory_space<hbm>> -> memref<64x128xf32, #tpu.memory_space<hbm>>
      %dma_wait3A_279 = arith.constant 0 : i32
      %dma_wait3A_280 = tpu.memref_slice %arg4[%add3A_228, %dma_wait3A_279] : memref<262144x128xf32, #tpu.memory_space<hbm>> -> memref<64x128xf32, #tpu.memory_space<hbm>>
      %dma_wait3A_281 = arith.constant 0 : i32
      %dma_wait3A_282 = arith.constant 0 : i32
      %dma_wait3A_283 = tpu.memref_slice %arg12[%run_scoped3A_229, %dma_wait3A_281, %dma_wait3A_282] : memref<8x64x128xf32, #tpu.memory_space<vmem>> -> memref<1x64x128xf32, #tpu.memory_space<vmem>>
      %dma_wait3A_284 = tpu.memref_squeeze %dma_wait3A_283 : memref<1x64x128xf32, #tpu.memory_space<vmem>> -> memref<64x128xf32, #tpu.memory_space<vmem>>
      tpu.wait_dma2 semaphore(%run_scoped3A_260 : memref<!tpu.dma_semaphore, #tpu.memory_space<semaphore_mem>>) src(%dma_wait3A_284 : memref<64x128xf32, #tpu.memory_space<vmem>>) dst(%dma_wait3A_280 : memref<64x128xf32, #tpu.memory_space<hbm>>)
      tpu.yield
    }) : () -> ()
    %dma_wait3A_230 = arith.constant 6 : i32
    %dma_wait3A_231 = arith.constant 0 : i32
    %dma_wait3A_232 = arith.constant 0 : i32
    %dma_wait3A_233 = tpu.memref_slice %arg12[%dma_wait3A_230, %dma_wait3A_231, %dma_wait3A_232] : memref<8x64x128xf32, #tpu.memory_space<vmem>> -> memref<1x64x128xf32, #tpu.memory_space<vmem>>
    %dma_wait3A_234 = tpu.memref_squeeze %dma_wait3A_233 : memref<1x64x128xf32, #tpu.memory_space<vmem>> -> memref<64x128xf32, #tpu.memory_space<vmem>>
    %dma_wait3A_235 = arith.constant 8064 : i32
    %dma_wait3A_236 = tpu.memref_slice %arg9[%dma_wait3A_235] : memref<8192xi32, #tpu.memory_space<vmem>> -> memref<64xi32, #tpu.memory_space<vmem>>
    %dma_wait3A_237 = arith.constant 0 : i32
    %dma_wait3A_238 = arith.constant 0 : i32
    %dma_wait3A_239 = tpu.memref_slice %arg2[%dma_wait3A_237, %dma_wait3A_238] : memref<262144x128xf32, #tpu.memory_space<hbm>> -> memref<262144x128xf32, #tpu.memory_space<hbm>>
    tpu.wait_indirect_dma semaphore(%arg19 : memref<!tpu.dma_semaphore, #tpu.memory_space<semaphore_mem>>) src(%dma_wait3A_239 : memref<262144x128xf32, #tpu.memory_space<hbm>>) dst(%dma_wait3A_234 : memref<64x128xf32, #tpu.memory_space<vmem>>)
    %mul3A_240 = arith.constant 8192 : i32
    %mul3A_241 = arith.muli %add3A, %mul3A_240 : i32
    %add3A_242 = arith.constant 8064 : i32
    %add3A_243 = arith.addi %mul3A_241, %add3A_242 : i32
    %run_scoped3A_244 = arith.constant 6 : i32
    "tpu.region"() ({
      %run_scoped3A_260 = tpu.sem_alloc : memref<!tpu.dma_semaphore, #tpu.memory_space<semaphore_mem>>
      %dma_start3A_261 = arith.constant 0 : i32
      %dma_start3A_262 = arith.constant 0 : i32
      %dma_start3A_263 = tpu.memref_slice %arg12[%run_scoped3A_244, %dma_start3A_261, %dma_start3A_262] : memref<8x64x128xf32, #tpu.memory_space<vmem>> -> memref<1x64x128xf32, #tpu.memory_space<vmem>>
      %dma_start3A_264 = tpu.memref_squeeze %dma_start3A_263 : memref<1x64x128xf32, #tpu.memory_space<vmem>> -> memref<64x128xf32, #tpu.memory_space<vmem>>
      %dma_start3A_265 = arith.constant 0 : i32
      %dma_start3A_266 = tpu.memref_slice %arg4[%add3A_243, %dma_start3A_265] : memref<262144x128xf32, #tpu.memory_space<hbm>> -> memref<64x128xf32, #tpu.memory_space<hbm>>
      %dma_start3A_267 = arith.constant 0 : i32
      %dma_start3A_268 = tpu.memref_slice %arg4[%add3A_243, %dma_start3A_267] : memref<262144x128xf32, #tpu.memory_space<hbm>> -> memref<64x128xf32, #tpu.memory_space<hbm>>
      %dma_start3A_269 = arith.constant 0 : i32
      %dma_start3A_270 = arith.constant 0 : i32
      %dma_start3A_271 = tpu.memref_slice %arg12[%run_scoped3A_244, %dma_start3A_269, %dma_start3A_270] : memref<8x64x128xf32, #tpu.memory_space<vmem>> -> memref<1x64x128xf32, #tpu.memory_space<vmem>>
      %dma_start3A_272 = tpu.memref_squeeze %dma_start3A_271 : memref<1x64x128xf32, #tpu.memory_space<vmem>> -> memref<64x128xf32, #tpu.memory_space<vmem>>
      tpu.enqueue_dma source(%dma_start3A_272 : memref<64x128xf32, #tpu.memory_space<vmem>>) target(%dma_start3A_268 : memref<64x128xf32, #tpu.memory_space<hbm>>) target_semaphore(%run_scoped3A_260 : memref<!tpu.dma_semaphore, #tpu.memory_space<semaphore_mem>>)
      %dma_wait3A_273 = arith.constant 0 : i32
      %dma_wait3A_274 = arith.constant 0 : i32
      %dma_wait3A_275 = tpu.memref_slice %arg12[%run_scoped3A_244, %dma_wait3A_273, %dma_wait3A_274] : memref<8x64x128xf32, #tpu.memory_space<vmem>> -> memref<1x64x128xf32, #tpu.memory_space<vmem>>
      %dma_wait3A_276 = tpu.memref_squeeze %dma_wait3A_275 : memref<1x64x128xf32, #tpu.memory_space<vmem>> -> memref<64x128xf32, #tpu.memory_space<vmem>>
      %dma_wait3A_277 = arith.constant 0 : i32
      %dma_wait3A_278 = tpu.memref_slice %arg4[%add3A_243, %dma_wait3A_277] : memref<262144x128xf32, #tpu.memory_space<hbm>> -> memref<64x128xf32, #tpu.memory_space<hbm>>
      %dma_wait3A_279 = arith.constant 0 : i32
      %dma_wait3A_280 = tpu.memref_slice %arg4[%add3A_243, %dma_wait3A_279] : memref<262144x128xf32, #tpu.memory_space<hbm>> -> memref<64x128xf32, #tpu.memory_space<hbm>>
      %dma_wait3A_281 = arith.constant 0 : i32
      %dma_wait3A_282 = arith.constant 0 : i32
      %dma_wait3A_283 = tpu.memref_slice %arg12[%run_scoped3A_244, %dma_wait3A_281, %dma_wait3A_282] : memref<8x64x128xf32, #tpu.memory_space<vmem>> -> memref<1x64x128xf32, #tpu.memory_space<vmem>>
      %dma_wait3A_284 = tpu.memref_squeeze %dma_wait3A_283 : memref<1x64x128xf32, #tpu.memory_space<vmem>> -> memref<64x128xf32, #tpu.memory_space<vmem>>
      tpu.wait_dma2 semaphore(%run_scoped3A_260 : memref<!tpu.dma_semaphore, #tpu.memory_space<semaphore_mem>>) src(%dma_wait3A_284 : memref<64x128xf32, #tpu.memory_space<vmem>>) dst(%dma_wait3A_280 : memref<64x128xf32, #tpu.memory_space<hbm>>)
      tpu.yield
    }) : () -> ()
    %dma_wait3A_245 = arith.constant 7 : i32
    %dma_wait3A_246 = arith.constant 0 : i32
    %dma_wait3A_247 = arith.constant 0 : i32
    %dma_wait3A_248 = tpu.memref_slice %arg12[%dma_wait3A_245, %dma_wait3A_246, %dma_wait3A_247] : memref<8x64x128xf32, #tpu.memory_space<vmem>> -> memref<1x64x128xf32, #tpu.memory_space<vmem>>
    %dma_wait3A_249 = tpu.memref_squeeze %dma_wait3A_248 : memref<1x64x128xf32, #tpu.memory_space<vmem>> -> memref<64x128xf32, #tpu.memory_space<vmem>>
    %dma_wait3A_250 = arith.constant 8128 : i32
    %dma_wait3A_251 = tpu.memref_slice %arg9[%dma_wait3A_250] : memref<8192xi32, #tpu.memory_space<vmem>> -> memref<64xi32, #tpu.memory_space<vmem>>
    %dma_wait3A_252 = arith.constant 0 : i32
    %dma_wait3A_253 = arith.constant 0 : i32
    %dma_wait3A_254 = tpu.memref_slice %arg2[%dma_wait3A_252, %dma_wait3A_253] : memref<262144x128xf32, #tpu.memory_space<hbm>> -> memref<262144x128xf32, #tpu.memory_space<hbm>>
    tpu.wait_indirect_dma semaphore(%arg20 : memref<!tpu.dma_semaphore, #tpu.memory_space<semaphore_mem>>) src(%dma_wait3A_254 : memref<262144x128xf32, #tpu.memory_space<hbm>>) dst(%dma_wait3A_249 : memref<64x128xf32, #tpu.memory_space<vmem>>)
    %mul3A_255 = arith.constant 8192 : i32
    %mul3A_256 = arith.muli %add3A, %mul3A_255 : i32
    %add3A_257 = arith.constant 8128 : i32
    %add3A_258 = arith.addi %mul3A_256, %add3A_257 : i32
    %run_scoped3A_259 = arith.constant 7 : i32
    "tpu.region"() ({
      %run_scoped3A_260 = tpu.sem_alloc : memref<!tpu.dma_semaphore, #tpu.memory_space<semaphore_mem>>
      %dma_start3A_261 = arith.constant 0 : i32
      %dma_start3A_262 = arith.constant 0 : i32
      %dma_start3A_263 = tpu.memref_slice %arg12[%run_scoped3A_259, %dma_start3A_261, %dma_start3A_262] : memref<8x64x128xf32, #tpu.memory_space<vmem>> -> memref<1x64x128xf32, #tpu.memory_space<vmem>>
      %dma_start3A_264 = tpu.memref_squeeze %dma_start3A_263 : memref<1x64x128xf32, #tpu.memory_space<vmem>> -> memref<64x128xf32, #tpu.memory_space<vmem>>
      %dma_start3A_265 = arith.constant 0 : i32
      %dma_start3A_266 = tpu.memref_slice %arg4[%add3A_258, %dma_start3A_265] : memref<262144x128xf32, #tpu.memory_space<hbm>> -> memref<64x128xf32, #tpu.memory_space<hbm>>
      %dma_start3A_267 = arith.constant 0 : i32
      %dma_start3A_268 = tpu.memref_slice %arg4[%add3A_258, %dma_start3A_267] : memref<262144x128xf32, #tpu.memory_space<hbm>> -> memref<64x128xf32, #tpu.memory_space<hbm>>
      %dma_start3A_269 = arith.constant 0 : i32
      %dma_start3A_270 = arith.constant 0 : i32
      %dma_start3A_271 = tpu.memref_slice %arg12[%run_scoped3A_259, %dma_start3A_269, %dma_start3A_270] : memref<8x64x128xf32, #tpu.memory_space<vmem>> -> memref<1x64x128xf32, #tpu.memory_space<vmem>>
      %dma_start3A_272 = tpu.memref_squeeze %dma_start3A_271 : memref<1x64x128xf32, #tpu.memory_space<vmem>> -> memref<64x128xf32, #tpu.memory_space<vmem>>
      tpu.enqueue_dma source(%dma_start3A_272 : memref<64x128xf32, #tpu.memory_space<vmem>>) target(%dma_start3A_268 : memref<64x128xf32, #tpu.memory_space<hbm>>) target_semaphore(%run_scoped3A_260 : memref<!tpu.dma_semaphore, #tpu.memory_space<semaphore_mem>>)
      %dma_wait3A_273 = arith.constant 0 : i32
      %dma_wait3A_274 = arith.constant 0 : i32
      %dma_wait3A_275 = tpu.memref_slice %arg12[%run_scoped3A_259, %dma_wait3A_273, %dma_wait3A_274] : memref<8x64x128xf32, #tpu.memory_space<vmem>> -> memref<1x64x128xf32, #tpu.memory_space<vmem>>
      %dma_wait3A_276 = tpu.memref_squeeze %dma_wait3A_275 : memref<1x64x128xf32, #tpu.memory_space<vmem>> -> memref<64x128xf32, #tpu.memory_space<vmem>>
      %dma_wait3A_277 = arith.constant 0 : i32
      %dma_wait3A_278 = tpu.memref_slice %arg4[%add3A_258, %dma_wait3A_277] : memref<262144x128xf32, #tpu.memory_space<hbm>> -> memref<64x128xf32, #tpu.memory_space<hbm>>
      %dma_wait3A_279 = arith.constant 0 : i32
      %dma_wait3A_280 = tpu.memref_slice %arg4[%add3A_258, %dma_wait3A_279] : memref<262144x128xf32, #tpu.memory_space<hbm>> -> memref<64x128xf32, #tpu.memory_space<hbm>>
      %dma_wait3A_281 = arith.constant 0 : i32
      %dma_wait3A_282 = arith.constant 0 : i32
      %dma_wait3A_283 = tpu.memref_slice %arg12[%run_scoped3A_259, %dma_wait3A_281, %dma_wait3A_282] : memref<8x64x128xf32, #tpu.memory_space<vmem>> -> memref<1x64x128xf32, #tpu.memory_space<vmem>>
      %dma_wait3A_284 = tpu.memref_squeeze %dma_wait3A_283 : memref<1x64x128xf32, #tpu.memory_space<vmem>> -> memref<64x128xf32, #tpu.memory_space<vmem>>
      tpu.wait_dma2 semaphore(%run_scoped3A_260 : memref<!tpu.dma_semaphore, #tpu.memory_space<semaphore_mem>>) src(%dma_wait3A_284 : memref<64x128xf32, #tpu.memory_space<vmem>>) dst(%dma_wait3A_280 : memref<64x128xf32, #tpu.memory_space<hbm>>)
      tpu.yield
    }) : () -> ()
    return
  }
}

</mosaic_0001>

<sc_bundles>
// kernel: kernel.3.cloned.1.call-start
scs
__scs_entry_jumppad:
0x0: {  	(pc) =	sbr.rel $0x88, $3  }
0x1: {  	(tag) =	ssettag $0x0;
	lr =	simm.s32 $0x1  }
0x2: {  	[smem:$0x3F9F] =	sst lr;
	_ =	strace $0xD0000000  }
0x3: {  	_ = 	snop  }
0x4: {  	_ = 	snop  }
0x5: {  	_ = 	snop  }
0x6: {  	_ = 	snop  }
0x7: {  	_ = 	snop  }
__scs_overlays_trampoline_lowered:
0x8: {  	[smem:$0x3FAE] =	sst s0  }
0x9: {  	[smem:$0x3FAF] =	sst s1  }
0xa: {  	[smem:$0x3FB0] =	sst s2  }
0xb: {  	[smem:$0x3FB1] =	sst s3  }
0xc: {  	[smem:$0x3FB2] =	sst s4  }
0xd: {  	[smem:$0x3FB3] =	sst s5  }
0xe: {  	[smem:$0x3FB4] =	sst s6  }
0xf: {  	[smem:$0x3FB5] =	sst s7  }
0x10: {  	[smem:$0x3FB6] =	sst s8  }
0x11: {  	[smem:$0x3FB7] =	sst s9;
	s0 =	simm.s32 @!p0 $0x0  }
0x12: {  	s1 =	sld [smem:$0x3F9D];
	s0 =	simm.s32 @p0 $0x1  }
0x13: {  	[smem:$0x3FB8] =	sst s0;
	s0 =	simm.s32 @!p1 $0x0  }
0x14: {  	s2 =	sld [smem:$0x3F9C];
	s0 =	simm.s32 @p1 $0x1  }
0x15: {  	[smem:$0x3FB9] =	sst s0;
	s0 =	simm.s32 @!p2 $0x0  }
0x16: {  	s3 =	sld [smem:$0x3FDB];
	s0 =	simm.s32 @p2 $0x1  }
0x17: {  	s4 =	simm.s32 $0x1BF5;
	[smem:$0x3FBB] =	sst s0  }
0x18: {  	s0 =	sld [smem:$0x3F9E];
	_ =	swait.ge [sflag:s4], $0x0  }
0x19: {  	s7 =	sld [smem:$0x3F9F]  }
0x1a: {  	s8 =	sadd.s32 $0xFFFFE003, lr  }
0x1b: {  	s9 =	sadd.s32 $0xFFFFFEF7, lr;
	s5 =	simm.s32 $0xFFFFFFFF;
	p2 =	slt.u32 s8, $0xFFFFF086  }
0x1c: {  	p1 =	slt.u32 s9, $0xF7A;
	s5 =	simm.s32 @!p2 $0x0  }
0x1d: {  	s5 =	simm.s32 @p1 $0x1;
	p0 =	seq.s32 s7, s2  }
0x1e: {  	s7 =	smul.u32 @!p0 $0xF7A, s2;
	p2 =	seq.s32 @!p0 s5, $0x0  }
0x1f: {  	s9 =	smul.u32 $0xF7A, s1;
	s8 =	simm.s32 @!p0 $0x1BF5;
	p2 =	por !p2, p0  }
0x20: {  	[sflag:s8] =	ssyncset.s32 @!p0 $0xFFFFF086;
	s6 =	sadd.s32 @!p0 s3, s7;
	s7 =	simm.s32 @!p0 $0x108  }
0x21: {  	s3 =	sadd.s32 s3, s9;
	s6 =	sadd.s32 @!p0 $0x88, s6;
	s7 =	simm.s32 @p2 $0x1082  }
0x22: {  	[simem:s7], [sflag:s8] =	dma.local @!p0 [hbm:s6], $0xF7A  }
0x23: {  	s9 =	sor.u32 $0xD0000000, s2;
	s6 =	simm.s32 $0x108;
	_ =	swait.ge @!p0 [sflag:s8], $0x0  }
0x24: {  	s3 =	sadd.s32 $0x88, s3;
	s6 =	simm.s32 @!p1 $0x1082;
	[sflag:s4] =	ssyncset.s32 $0xFFFFF086  }
0x25: {  	[simem:s6], [sflag:s4] =	dma.local [hbm:s3], $0xF7A  }
0x26: {  	[smem:$0x3F9F] =	sst s1;
	(tag) =	ssettag s2;
	_ =	strace s9  }
0x27: {  	s1 =	sld [smem:$0x3FAF]  }
0x28: {  	s2 =	sld [smem:$0x3FB0]  }
0x29: {  	s4 =	sld [smem:$0x3FB2]  }
0x2a: {  	p0 =	seq.s32 s5, $0x0;
	s5 =	sld [smem:$0x3FB3]  }
0x2b: {  	s6 =	sld [smem:$0x3FB4]  }
0x2c: {  	s7 =	sld [smem:$0x3FB5]  }
0x2d: {  	s3 =	simm.s32 $0x108;
	s8 =	sld [smem:$0x3FB6]  }
0x2e: {  	s3 =	simm.s32 @!p0 $0x1082;
	s9 =	sld [smem:$0x3FB7]  }
0x2f: {  	lr =	sadd.s32 s0, s3;
	s0 =	sld [smem:$0x3FAE]  }
0x30: {  	s3 =	sld [smem:$0x3FB1]  }
0x31: {  	[smem:$0x3FBA] =	sst s10  }
0x32: {  	s10 =	sld [smem:$0x3FB8];
	_ =	sdelay $0x3  }
0x33: {  	p0 =	seq.s32 s10, $0x1;
	s10 =	sld [smem:$0x3FBA];
	_ =	sdelay $0x3  }
0x34: {  	[smem:$0x3FBA] =	sst s10  }
0x35: {  	s10 =	sld [smem:$0x3FB9];
	_ =	sdelay $0x3  }
0x36: {  	p1 =	seq.s32 s10, $0x1;
	s10 =	sld [smem:$0x3FBA];
	_ =	sdelay $0x3  }
0x37: {  	[smem:$0x3FBA] =	sst s10  }
0x38: {  	s10 =	sld [smem:$0x3FBB]  }
0x39: {  	_ = 	snop;
	(pc) =	sbr.ind lr, $3  }
0x3a: {  	_ = 	snop  }
0x3b: {  	_ = 	snop  }
0x3c: {  	p2 =	seq.s32 s10, $0x1;
	s10 =	sld [smem:$0x3FBA]  }
0x3d: {  	_ =	shalt  }
0x3e: {  	_ =	shalt  }
0x3f: {  	_ =	shalt  }
0x40: {  	_ =	shalt  }
0x41: {  	_ =	shalt  }
0x42: {  	_ =	shalt  }
0x43: {  	_ =	shalt  }
0x44: {  	_ =	shalt  }
0x45: {  	_ =	shalt  }
0x46: {  	_ =	shalt  }
0x47: {  	_ =	shalt  }
0x48: {  	_ =	shalt  }
0x49: {  	_ =	shalt  }
0x4a: {  	_ =	shalt  }
0x4b: {  	_ =	shalt  }
0x4c: {  	_ =	shalt  }
0x4d: {  	_ =	shalt  }
0x4e: {  	_ =	shalt  }
0x4f: {  	_ =	shalt  }
0x50: {  	_ =	shalt  }
0x51: {  	_ =	shalt  }
0x52: {  	_ =	shalt  }
0x53: {  	_ =	shalt  }
0x54: {  	_ =	shalt  }
0x55: {  	_ =	shalt  }
0x56: {  	_ =	shalt  }
0x57: {  	_ =	shalt  }
0x58: {  	_ =	shalt  }
0x59: {  	_ =	shalt  }
0x5a: {  	_ =	shalt  }
0x5b: {  	_ =	shalt  }
0x5c: {  	_ =	shalt  }
0x5d: {  	_ =	shalt  }
0x5e: {  	_ =	shalt  }
0x5f: {  	_ =	shalt  }
0x60: {  	_ =	shalt  }
0x61: {  	_ =	shalt  }
0x62: {  	_ =	shalt  }
0x63: {  	_ =	shalt  }
0x64: {  	_ =	shalt  }
0x65: {  	_ =	shalt  }
0x66: {  	_ =	shalt  }
0x67: {  	_ =	shalt  }
0x68: {  	_ =	shalt  }
0x69: {  	_ =	shalt  }
0x6a: {  	_ =	shalt  }
0x6b: {  	_ =	shalt  }
0x6c: {  	_ =	shalt  }
0x6d: {  	_ =	shalt  }
0x6e: {  	_ =	shalt  }
0x6f: {  	_ =	shalt  }
0x70: {  	_ =	shalt  }
0x71: {  	_ =	shalt  }
0x72: {  	_ =	shalt  }
0x73: {  	_ =	shalt  }
0x74: {  	_ =	shalt  }
0x75: {  	_ =	shalt  }
0x76: {  	_ =	shalt  }
0x77: {  	_ =	shalt  }
0x78: {  	_ =	shalt  }
0x79: {  	_ =	shalt  }
0x7a: {  	_ =	shalt  }
0x7b: {  	_ =	shalt  }
0x7c: {  	_ =	shalt  }
0x7d: {  	_ =	shalt  }
0x7e: {  	_ =	shalt  }
0x7f: {  	_ =	shalt  }
0x80: {  	_ =	shalt  }
0x81: {  	_ =	shalt  }
0x82: {  	_ =	shalt  }
0x83: {  	_ =	shalt  }
0x84: {  	_ =	shalt  }
0x85: {  	_ =	shalt  }
0x86: {  	_ =	shalt  }
0x87: {  	_ =	shalt  }
.Lfunc_end0:
.L_simem_size_0:
called_computation_lowered:
.L_overlay_start_0:
0x88: {  	s2 =	sld [smem:$0x3FD9]  }
0x89: {  	s3 =	sld [smem:$0x3FFE];
	_ =	sdelay $0x1  }
0x8a: {  	s1 =	srdreg.scid  }
0x8b: {  	s0 =	sand.u32 $0x1, s1  }
0x8c: {  	s15 =	sshll.u32 s0, $0xA;
	s2 =	sadd.s32 s3, s2  }
0x8d: {  	s2 =	sadd.s32 s2, s15  }
0x8e: {  	[smem:$0x3FC6] =	sst s2  }
0x8f: {  	_ = 	snop  }
0x90: {  	s2 =	sld [smem:$0x3FD0];
	_ =	sdelay $0x1  }
0x91: {  	s16 =	sld [smem:$0x3FC9]  }
0x92: {  	s5 =	simm.s32 $0xA;
	s6 =	simm.s32 $0x10;
	s4 =	sld [smem:$0x3FC8]  }
0x93: {  	[smem:s6], [sflag:s5] =	dma.local [hbm:s2], $0x1  }
0x94: {  	_ =	swait.eq [sflag:s5], $0x1  }
0x95: {  	[sflag:s5] =	ssyncset.done $0x0  }
0x96: {  	s17 =	sld [smem:$0x10];
	[sflag:s5] =	ssyncadd.s32 $0xFFFFFFFF  }
0x97: {  	s18 =	sld [smem:$0x11];
	(tm) =	ssettm $0x1  }
0x98: {  	s19 =	sld [smem:$0x3FFB];
	_ =	sdelay $0x3  }
0x99: {  	_ =	strace s19  }
0x9a: {  	s6 =	sld [smem:$0x3FFC];
	_ =	sdelay $0x3  }
0x9b: {  	_ =	strace s6  }
0x9c: {  	s6 =	sld [smem:$0x3FFD];
	_ =	sdelay $0x3  }
0x9d: {  	_ =	strace s6  }
0x9e: {  	_ =	strace $0x8FFFFFFF  }
0x9f: {  	s20 =	sld [smem:$0x3FDB];
	_ =	sdelay $0x1  }
0xa0: {  	s7 =	simm.s32 $_scs_section_size  }
0xa1: {  	s8 =	simm.s32 $_size__tile_overlayer_lowered;
	s9 =	simm.s32 $_tile_overlayer_lowered  }
0xa2: {  	s23 =	simm.s32 $0x1BFF;
	s22 =	sshll.u32 s9, $0x1;
	s6 =	sadd.s32 s7, s20  }
0xa3: {  	s10 =	simm.s32 $0x0;
	s21 =	sshll.u32 s8, $0x1;
	s8 =	sadd.s32 s22, s6  }
0xa4: {  	[timem:s10], [sflag:s23] =	dma.local [hbm:s8], s21  }
0xa5: {  	_ =	swait.ge [sflag:s23], s21  }
0xa6: {  	s7 =	ssub.s32 $0x0, s21;
	[sflag:s23] =	ssyncset.done $0x0  }
0xa7: {  	[sflag:s23] =	ssyncadd.s32 s7;
	_ =	sdelay $0x1  }
0xa8: {  	s24 =	simm.s32 $0x1B8B  }
0xa9: {  	_ =	swait.ge [sflag:s24], $0x1  }
0xaa: {  	[sflag:s24] =	ssyncset.done $0x0  }
0xab: {  	s25 =	simm.s32 $0x1B8E;
	[sflag:s24] =	ssyncadd.s32 $0xFFFFFFFF  }
0xac: {  	s26 =	simm.s32 $execute0_lowered;
	[smem:$0x3FD2] =	sst s25  }
0xad: {  	s7 =	sshll.u32 s26, $0x1;
	_ =	strace $0x80000046;
	[dreg:$0x1] =	wrdreg $0xFFFFFFFF  }
0xae: {  	s28 =	simm.s32 $_size_execute0_lowered;
	s6 =	sadd.s32 s6, s7;
	[dreg:$0x0] =	wrdreg $0x0  }
0xaf: {  	s7 =	sshll.u32 s28, $0x1;
	[dreg:$0x2] =	wrdreg s6  }
0xb0: {  	[dreg:$0x3] =	wrdreg s7  }
0xb1: {  	[dreg:$0x4] =	wrdreg $0xC0  }
0xb2: {  	_ =	task [dreg:s10], $0x5FFFF  }
0xb3: {  	[dreg:$0x1] =	wrdreg $0xFFFFFFFF  }
0xb4: {  	[dreg:$0x0] =	wrdreg $0x60  }
0xb5: {  	[dreg:$0x2] =	wrdreg s16  }
0xb6: {  	[dreg:$0x3] =	wrdreg s4  }
0xb7: {  	[dreg:$0x4] =	wrdreg s17  }
0xb8: {  	[dreg:$0x5] =	wrdreg s18  }
0xb9: {  	[dreg:$0x6] =	wrdreg $0x9  }
0xba: {  	_ =	task.clear_ibuf [dreg:s10], $0x7FFFF;
	_ =	strace $0x90000046  }
0xbb: {  	s29 =	simm.s32 $0x9;
	_ =	strace $0x80000048  }
0xbc: {  	_ =	swait.ge [sflag:s29], $0x1  }
0xbd: {  	[sflag:s29] =	ssyncadd.s32 $0xFFFFFFFF  }
0xbe: {  	_ =	strace $0x90000048  }
0xbf: {  	_ =	sfence  }
0xc0: {  	s30 =	sld [smem:$0x0];
	_ =	sdelay $0x2  }
0xc1: {  	s31 =	sshll.u32 s1, $0xD;
	s1 =	sshrl.u32 s1, $0x2  }
0xc2: {  	s3 =	sand.u32 $0x4000, s31;
	s1 =	sadd.s32 s1, s30  }
0xc3: {  	s0 =	sor.u32 s3, s0;
	s1 =	sshll.u32 s1, $0x11  }
0xc4: {  	s0 =	sor.u32 s1, s0  }
0xc5: {  	s0 =	sadd.s32 $0x8F2B, s0  }
0xc6: {  	[sflag:s0] =	ssyncadd.remote.s32 $0x1  }
0xc7: {  	_ =	sfence.sel $0xFFFF  }
0xc8: {  	[dreg:$0x0] =	wrdreg $0xFFFFFFFF;
	(pc) =	sbr.abs _section_cstart, $3  }
0xc9: {  	[dreg:$0x1] =	wrdreg $0xFFFFFFFF  }
0xca: {  	_ =	task.clear_ibuf [dreg:s10], $0x2FFFF;
	_ =	strace $0x9FFFFFFF  }
0xcb: {  	(tm) =	ssettm $0x7FFFFFFF  }
tec
execute0_lowered:
.L_overlay_start_1:
0x0: {  	(tag) =	ssettag $0x1  }
0x1: {  	s1 =	rddreg [dreg:$0x0]  }
0x2: {  	s0 =	rddreg [dreg:$0x1]  }
0x3: {  	s2 =	rddreg [dreg:$0x2]  }
0x4: {  	s3 =	srdreg.scid;
	s11 =	stileid.u32  }
0x5: {  	s4 =	rddreg [dreg:$0x3];
	s29 =	simm.s32 $0xF400;
	s31 =	simm.s32 $0x11400  }
0x6: {  	s28 =	simm.s32 $0x15400;
	s30 =	simm.s32 $0x19400;
	s15 =	simm.s32 $0x7  }
0x7: {  	s5 =	sand.u32 $0x1, s3;
	s16 =	sshll.u32 s11, $0x1;
	s3 =	simm.s32 $0x0  }
0x8: {  	s22 =	sshll.u32 s11, $0x12;
	s11 =	simm.s32 $0x0;
	s6 =	sor.u32 s5, s16  }
0x9: {  	[smem:$0x7FF] =	sst s3;
	s9 =	ssub.s32 $0x2, s5;
	s23 =	sshll.u32 s5, $0x11  }
0xa: {  	s7 =	sshll.u32 s6, $0xD;
	s8 =	sshll.u32 s6, $0x7;
	s6 =	sshll.u32 s6, $0x11  }
0xb: {  	s16 =	simm.s32 $0x80;
	s5 =	simm.s32 $0x3;
	s17 =	sadd.s32 s6, s2  }
0xc: {  	_ =	strace $0x80000047;
	s10 =	sshrl.u32 s9, $0x1;
	s18 =	sadd.s32 $0x1E000, s17  }
0xd: {  	s8 =	sor.u32 s8, s7;
	s19 =	sadd.s32 $0x1E400, s17;
	[dreg:$0x8] =	wrdreg s18  }
0xe: {  	s9 =	ssub.s32 s9, s10;
	s20 =	sadd.s32 $0x1E800, s17;
	[dreg:$0x9] =	wrdreg s19  }
0xf: {  	s2 =	sadd.s32 s22, s2;
	s21 =	sadd.s32 $0x1EC00, s17;
	[dreg:$0xa] =	wrdreg s20  }
0x10: {  	s22 =	simm.s32 $0x2000;
	s6 =	sadd.s32 $0x1F000, s17;
	[dreg:$0xb] =	wrdreg s21  }
0x11: {  	v0 =	vmov s7;
	s7 =	simm.s32 $0x5;
	s24 =	sadd.s32 $0x1F400, s17;
	[dreg:$0xc] =	wrdreg s6  }
0x12: {  	s8 =	sand.u32 $0x30380, s8;
	s25 =	sadd.s32 $0x1F800, s17;
	[dreg:$0xd] =	wrdreg s24  }
0x13: {  	s2 =	sadd.s32 s23, s2;
	s26 =	smax.u32 s9, $0x1;
	[dreg:$0xe] =	wrdreg s25  }
0x14: {  	s23 =	simm.s32 $0x40;
	s9 =	simm.s32 $0x8;
	[dreg:$0x10] =	wrdreg s26  }
0x15: {  	s8 =	sshrl.u32 s8, $0x3;
	[dreg:$0x5] =	wrdreg s2;
	s18 =	simm.s32 $0x9  }
0x16: {  	s19 =	simm.s32 $0x8000;
	s20 =	simm.s32 $0x4000;
	s21 =	simm.s32 $0x6000  }
0x17: {  	s24 =	simm.s32 $0xB400;
	s26 =	simm.s32 $0xD400;
	s2 =	simm.s32 $0x17400  }
0x18: {  	s25 =	simm.s32 $0x1;
	s6 =	simm.s32 $0x4;
	s0 =	sadd.s32 s0, s8  }
0x19: {  	s4 =	sadd.s32 s4, s8;
	s8 =	simm.s32 $0x6;
	[dreg:$0x6] =	wrdreg s0  }
0x1a: {  	[dreg:$0x7] =	wrdreg s4;
	s0 =	sadd.s32 $0x1FC00, s17;
	s17 =	simm.s32 $0x9400  }
0x1b: {  	v1 =	vimm.s32 $0x0;
	v2 =	vlaneseq.u32;
	v3 =	vimm.s32 $0x80000000;
	s4 =	simm.s32 $0x2;
	[dreg:$0xf] =	wrdreg s0;
	s0 =	simm.s32 $0x13400  }
.LBB2_1:
0x1c: {  	[dreg:$0x11] =	wrdreg s11  }
0x1d: {  	s10 =	rddreg [dreg:$0x6];
	s14 =	simm.s32 $0x400  }
0x1e: {  	[tilespmem:s17], [sflag:$0x9] =	stream.strided.gather [hbm4b:s10+s16], $0x2000, s14, s16, $0x38;
	[tilespmem:$0x1B400] =	vst v63  }
0x1f: {  	_ =	swait.ge [sflag:s18], $0x2000  }
0x20: {  	[sflag:s18] =	ssyncset.done $0x0  }
0x21: {  	s10 =	simm.s32 $0x8020;
	[sflag:s18] =	ssyncadd.s32 $0xFFFFE000  }
0x22: {  	[tilespmem:s10+$0xFFFFFFE0] =	vst v1  }
0x23: {  	s11 =	simm.s32 $0x9410;
	[tilespmem:s10+$0x10] =	vst v1  }
0x24: {  	s12 =	simm.s32 $0x10;
	s13 =	simm.s32 $0x2010;
	s16 =	simm.s32 $0x0;
	[tilespmem:s10+$0x0] =	vst v1  }
.LBB2_2:
0x25: {  	s16 =	sadd.s32 $0x4, s16  }
0x26: {  	[tilespmem:s10+$0xFFFFFFF0] =	vst v1;
	s10 =	sadd.s32 $0x40, s10;
	s14 =	simm.s32 $0xFFFFFFFE;
	p0 =	slt.u32 s16, $0x13C  }
.Ltmp0:
0x27: {  	[tilespmem:s10+$0xFFFFFFE0] =	vst v1;
	(pc) =	sbr.rel @p0 .LBB2_2-.Ltmp0, $3  }
0x28: {  	_ =	sdelay $0x1  }
0x29: {  	[tilespmem:s10+$0x10] =	vst v1  }
0x2a: {  	[tilespmem:s10+$0x0] =	vst v1  }
0x2b: {  	[tilespmem:s10+$0xFFFFFFF0] =	vst v1;
	s16 =	simm.s32 $0x10  }
.LBB2_4:
0x2c: {  	v4 =	vld [tilespmem:s11+$0xFFFFFFF0];
	_ =	sdelay $0x4  }
0x2d: {  	v5 =	vshra.s32 v4, $0x1F  }
0x2e: {  	v5 =	vor.u32 $0x80000000, v5  }
0x2f: {  	v4 =	vxor.u32 v4, v5  }
0x30: {  	v5 =	vshrl.u32 v4, $0xB  }
0x31: {  	v6 =	vand.u32 $0x7FF, v4;
	v7 =	vand.u32 $0x7FF, v5  }
0x32: {  	v8 =	vshrl.u32 v4, $0x16;
	(xrf1) =	vunique.msk.u32 $0xffff, v6;
	v7 =	vor.u32 $0x800, v7  }
0x33: {  	v8 =	vor.u32 $0x1000, v8;
	(xrf1) =	vunique.msk.u32 $0xffff, v7  }
0x34: {  	(xrf1) =	vunique.msk.u32 $0xffff, v8;
	_ =	sdelay $0xb  }
0x35: {  	_, v9, vm0 =	vpop (xrf1)  }
0x36: {  	v5 =	vand.u32 $0x7F, v5;
	v7 =	vand.u32 $0xF80, v7;
	_, v10, vm1 =	vpop (xrf1)  }
0x37: {  	v5 =	vor.u32 v5, v7;
	_, v59, vm2 =	vpop (xrf1)  }
0x38: {  	s10 =	sadd.s32 $0xFFFFFFF0, s12  }
0x39: {  	[tilespmem:s16+$0xFFFFFFF0] =	vst v4;
	v4 =	vor.u32 s10, v2  }
0x3a: {  	[tilespmem:s13+$0xFFFFFFF0] =	vst v4  }
0x3b: {  	[tilespmem:v6+s19+$0x0] =	vst.idx.add.s32.msk vm0, v9  }
0x3c: {  	[tilespmem:v5+s19+$0x0] =	vst.idx.add.s32.msk vm1, v10  }
0x3d: {  	[tilespmem:v8+s19+$0x0] =	vst.idx.add.s32.msk vm2, v59  }
0x3e: {  	v4 =	vld [tilespmem:s11+$0x0];
	_ =	sdelay $0x4  }
0x3f: {  	v5 =	vshra.s32 v4, $0x1F  }
0x40: {  	v5 =	vor.u32 $0x80000000, v5  }
0x41: {  	v4 =	vxor.u32 v4, v5  }
0x42: {  	v5 =	vshrl.u32 v4, $0xB  }
0x43: {  	v60 =	vand.u32 $0x7FF, v4;
	v61 =	vand.u32 $0x7FF, v5  }
0x44: {  	v62 =	vshrl.u32 v4, $0x16;
	(xrf1) =	vunique.msk.u32 $0xffff, v60;
	v7 =	vor.u32 $0x800, v61  }
0x45: {  	v8 =	vor.u32 $0x1000, v62;
	(xrf1) =	vunique.msk.u32 $0xffff, v7  }
0x46: {  	(xrf1) =	vunique.msk.u32 $0xffff, v8;
	_ =	sdelay $0xb  }
0x47: {  	_, v9, vm0 =	vpop (xrf1)  }
0x48: {  	v5 =	vand.u32 $0x7F, v5;
	v7 =	vand.u32 $0xF80, v7;
	_, v10, vm1 =	vpop (xrf1)  }
0x49: {  	s14 =	sadd.s32 $0x2, s14;
	v5 =	vor.u32 v5, v7;
	_, v63, vm15 =	vpop (xrf1)  }
0x4a: {  	p0 =	slt.u32 s14, $0x1FE  }
.Ltmp1:
0x4b: {  	[tilespmem:s16+$0x0] =	vst v4;
	v4 =	vor.u32 s12, v2;
	(pc) =	sbr.rel @p0 .LBB2_4-.Ltmp1, $4  }
0x4c: {  	[tilespmem:s13+$0x0] =	vst v4  }
0x4d: {  	[tilespmem:v60+s19+$0x0] =	vst.idx.add.s32.msk vm0, v9  }
0x4e: {  	s10 =	simm.s32 $0x0;
	s11 =	sadd.s32 $0x20, s11;
	[tilespmem:v5+s19+$0x0] =	vst.idx.add.s32.msk vm1, v10  }
0x4f: {  	s16 =	sadd.s32 $0x20, s16;
	s12 =	sadd.s32 $0x20, s12;
	s13 =	sadd.s32 $0x20, s13;
	[tilespmem:v8+s19+$0x0] =	vst.idx.add.s32.msk vm15, v63  }
0x50: {  	s12 =	sshra.s32 s10, $0x2  }
0x51: {  	v4 =	vld [tilespmem:s12+$0x8000];
	_ =	sdelay $0x4  }
0x52: {  	(xrf0) =	vadd.scan.msk.s32 $0xffff, v4;
	_ =	sdelay $0x5  }
0x53: {  	v5, _, _ =	vpop (xrf0)  }
0x54: {  	(v2sf) =	vpush v5, $0xF  }
0x55: {  	v4 =	vsub.s32 s10, v4  }
0x56: {  	s13 =	sadd.s32 $0x40, s10;
	v4 =	vadd.s32 v5, v4  }
0x57: {  	s11 =	sshra.s32 s13, $0x2;
	s13 =	sadd.s32 $0x40, s13;
	[tilespmem:s12+$0x8000] =	vst v4;
	s12 =	simm.s32 $0x0  }
.LBB2_6:
0x58: {  	p0 =	sne.s32 s13, $0x1FC0;
	v4 =	vld [tilespmem:s11+$0x8000];
	_ =	sdelay $0x4  }
0x59: {  	(xrf0) =	vadd.scan.msk.s32 $0xffff, v4;
	_ =	sdelay $0x5  }
.Ltmp2:
0x5a: {  	v5, _, _ =	vpop (xrf0);
	s14 =	spop (v2sf);
	(pc) =	sbr.rel @p0 .LBB2_6-.Ltmp2, $4  }
0x5b: {  	(v2sf) =	vpush v5, $0xF;
	s12 =	sadd.s32 s12, s14  }
0x5c: {  	v4 =	vsub.s32 s12, v4  }
0x5d: {  	v4 =	vadd.s32 v5, v4  }
0x5e: {  	[tilespmem:s11+$0x8000] =	vst v4;
	s11 =	sshra.s32 s13, $0x2;
	s13 =	sadd.s32 $0x40, s13  }
0x5f: {  	_ = 	snop  }
0x60: {  	v4 =	vld [tilespmem:s11+$0x8000];
	_ =	sdelay $0x4  }
0x61: {  	(xrf0) =	vadd.scan.msk.s32 $0xffff, v4;
	_ =	sdelay $0x4  }
0x62: {  	s13 =	spop (v2sf)  }
0x63: {  	v5, _, _ =	vpop (xrf0);
	s12 =	sadd.s32 s12, s13  }
0x64: {  	(v2sf) =	vpush v5, $0xF;
	v4 =	vsub.s32 s12, v4  }
0x65: {  	v4 =	vadd.s32 v5, v4  }
0x66: {  	s13 =	sand.u32 $0x7F0, s10;
	[tilespmem:s11+$0x8000] =	vst v4  }
0x67: {  	v4 =	vld [tilespmem:s13+$0x8800];
	_ =	sdelay $0x4  }
0x68: {  	(xrf0) =	vadd.scan.msk.s32 $0xffff, v4;
	_ =	sdelay $0x5  }
0x69: {  	v5, _, _ =	vpop (xrf0)  }
0x6a: {  	s16 =	spop (v2sf);
	(v2sf) =	vpush v5, $0xF  }
0x6b: {  	v4 =	vsub.s32 s10, v4  }
0x6c: {  	s14 =	simm.s32 $0x10;
	v4 =	vadd.s32 v5, v4  }
0x6d: {  	s12 =	simm.s32 $0x20;
	s11 =	sand.u32 $0x7F0, s14;
	[tilespmem:s13+$0x8800] =	vst v4  }
.LBB2_8:
0x6e: {  	p0 =	sne.s32 s12, $0x7F0;
	v4 =	vld [tilespmem:s11+$0x8800];
	_ =	sdelay $0x4  }
0x6f: {  	(xrf0) =	vadd.scan.msk.s32 $0xffff, v4;
	_ =	sdelay $0x5  }
.Ltmp3:
0x70: {  	v5, _, _ =	vpop (xrf0);
	s13 =	spop (v2sf);
	(pc) =	sbr.rel @p0 .LBB2_8-.Ltmp3, $4  }
0x71: {  	(v2sf) =	vpush v5, $0xF;
	s10 =	sadd.s32 s10, s13  }
0x72: {  	v4 =	vsub.s32 s10, v4  }
0x73: {  	v4 =	vadd.s32 v5, v4  }
0x74: {  	[tilespmem:s11+$0x8800] =	vst v4;
	s11 =	sand.u32 $0x7F0, s12;
	s12 =	sadd.s32 $0x10, s12  }
0x75: {  	_ = 	snop  }
0x76: {  	v4 =	vld [tilespmem:s11+$0x8800];
	_ =	sdelay $0x4  }
0x77: {  	(xrf0) =	vadd.scan.msk.s32 $0xffff, v4;
	_ =	sdelay $0x4  }
0x78: {  	s12 =	spop (v2sf)  }
0x79: {  	v5, _, _ =	vpop (xrf0);
	s10 =	sadd.s32 s10, s12  }
0x7a: {  	(v2sf) =	vpush v5, $0xF;
	v4 =	vsub.s32 s10, v4  }
0x7b: {  	s10 =	simm.s32 $0x0;
	v4 =	vadd.s32 v5, v4  }
0x7c: {  	s13 =	sand.u32 $0x3F0, s10;
	[tilespmem:s11+$0x8800] =	vst v4  }
0x7d: {  	v4 =	vld [tilespmem:s13+$0x9000];
	_ =	sdelay $0x4  }
0x7e: {  	(xrf0) =	vadd.scan.msk.s32 $0xffff, v4;
	_ =	sdelay $0x5  }
0x7f: {  	v5, _, _ =	vpop (xrf0)  }
0x80: {  	s16 =	spop (v2sf);
	(v2sf) =	vpush v5, $0xF  }
0x81: {  	v4 =	vsub.s32 s10, v4  }
0x82: {  	s14 =	simm.s32 $0x10;
	v4 =	vadd.s32 v5, v4  }
0x83: {  	s12 =	simm.s32 $0x20;
	s11 =	sand.u32 $0x3F0, s14;
	[tilespmem:s13+$0x9000] =	vst v4  }
.LBB2_10:
0x84: {  	p0 =	sne.s32 s12, $0x3F0;
	v4 =	vld [tilespmem:s11+$0x9000];
	_ =	sdelay $0x4  }
0x85: {  	(xrf0) =	vadd.scan.msk.s32 $0xffff, v4;
	_ =	sdelay $0x5  }
.Ltmp4:
0x86: {  	v5, _, _ =	vpop (xrf0);
	s13 =	spop (v2sf);
	(pc) =	sbr.rel @p0 .LBB2_10-.Ltmp4, $4  }
0x87: {  	(v2sf) =	vpush v5, $0xF;
	s10 =	sadd.s32 s10, s13  }
0x88: {  	v4 =	vsub.s32 s10, v4  }
0x89: {  	v4 =	vadd.s32 v5, v4  }
0x8a: {  	[tilespmem:s11+$0x9000] =	vst v4;
	s11 =	sand.u32 $0x3F0, s12;
	s12 =	sadd.s32 $0x10, s12  }
0x8b: {  	v4 =	vld [tilespmem:s11+$0x9000];
	_ =	sdelay $0x4  }
0x8c: {  	(xrf0) =	vadd.scan.msk.s32 $0xffff, v4;
	_ =	sdelay $0x5  }
0x8d: {  	v5, _, _ =	vpop (xrf0)  }
0x8e: {  	(v2sf) =	vpush v5, $0xF;
	_ =	sdelay $0xb  }
0x8f: {  	s12 =	spop (v2sf)  }
0x90: {  	s10 =	sadd.s32 s10, s12  }
0x91: {  	v4 =	vsub.s32 s10, v4  }
0x92: {  	s13 =	simm.s32 $0x2010;
	v4 =	vadd.s32 v5, v4;
	s16 =	spop (v2sf)  }
0x93: {  	s14 =	simm.s32 $0x10;
	s10 =	simm.s32 $0xFFFFFFFE;
	[tilespmem:s11+$0x9000] =	vst v4;
	s16 =	simm.s32 $0xFFFFFFFE  }
.LBB2_12:
0x94: {  	v4 =	vld [tilespmem:s14+$0xFFFFFFF0];
	_ =	sdelay $0x4  }
0x95: {  	v5 =	vand.u32 $0x7FF, v4  }
0x96: {  	(xrf1) =	vunique.msk.u32 $0xffff, v5;
	_ =	sdelay $0x9  }
0x97: {  	v6 =	vld.idx.msk [tilespmem:v5+s19+$0x0], $0xffff;
	_ =	sdelay $0x3  }
0x98: {  	_, v7, vm0 =	vpop (xrf1)  }
0x99: {  	v6 =	vadd.s32 v7, v6  }
0x9a: {  	v6 =	vadd.s32 $0xFFFFFFFF, v6  }
0x9b: {  	v8 =	vld [tilespmem:s13+$0xFFFFFFF0];
	_ =	sdelay $0x3  }
0x9c: {  	[tilespmem:v6+s20+$0x0] =	vst.idx.msk $0xffff, v4  }
0x9d: {  	[tilespmem:v6+s21+$0x0] =	vst.idx.msk $0xffff, v8  }
0x9e: {  	[tilespmem:v5+s19+$0x0] =	vst.idx.add.s32.msk vm0, v7  }
0x9f: {  	v4 =	vld [tilespmem:s14+$0x0];
	_ =	sdelay $0x4  }
0xa0: {  	v5 =	vand.u32 $0x7FF, v4  }
0xa1: {  	(xrf1) =	vunique.msk.u32 $0xffff, v5;
	_ =	sdelay $0x9  }
0xa2: {  	v6 =	vld.idx.msk [tilespmem:v5+s19+$0x0], $0xffff;
	_ =	sdelay $0x3  }
0xa3: {  	_, v7, vm0 =	vpop (xrf1)  }
0xa4: {  	v6 =	vadd.s32 v7, v6  }
0xa5: {  	v6 =	vadd.s32 $0xFFFFFFFF, v6  }
0xa6: {  	s16 =	sadd.s32 $0x2, s16;
	v8 =	vld [tilespmem:s13+$0x0]  }
0xa7: {  	p0 =	slt.u32 s16, $0x1FE  }
.Ltmp5:
0xa8: {  	_ = 	snop;
	(pc) =	sbr.rel @p0 .LBB2_12-.Ltmp5, $4  }
0xa9: {  	_ = 	snop  }
0xaa: {  	[tilespmem:v6+s20+$0x0] =	vst.idx.msk $0xffff, v4  }
0xab: {  	s11 =	simm.s32 $0x6010;
	[tilespmem:v6+s21+$0x0] =	vst.idx.msk $0xffff, v8  }
0xac: {  	s12 =	simm.s32 $0x4010;
	s13 =	sadd.s32 $0x20, s13;
	s14 =	sadd.s32 $0x20, s14;
	[tilespmem:v5+s19+$0x0] =	vst.idx.add.s32.msk vm0, v7  }
.LBB2_13:
0xad: {  	v4 =	vld [tilespmem:s12+$0xFFFFFFF0];
	_ =	sdelay $0x4  }
0xae: {  	v5 =	vshrl.u32 v4, $0xB  }
0xaf: {  	v6 =	vand.u32 $0x7FF, v5  }
0xb0: {  	v6 =	vor.u32 $0x800, v6  }
0xb1: {  	(xrf1) =	vunique.msk.u32 $0xffff, v6;
	_ =	sdelay $0x3  }
0xb2: {  	v5 =	vand.u32 $0x7F, v5;
	v6 =	vand.u32 $0xF80, v6  }
0xb3: {  	v5 =	vor.u32 v5, v6;
	_ =	sdelay $0x4  }
0xb4: {  	v6 =	vld.idx.msk [tilespmem:v5+s19+$0x0], $0xffff;
	_ =	sdelay $0x3  }
0xb5: {  	_, v7, vm0 =	vpop (xrf1)  }
0xb6: {  	v6 =	vadd.s32 v7, v6  }
0xb7: {  	v6 =	vadd.s32 $0xFFFFFFFF, v6  }
0xb8: {  	v8 =	vld [tilespmem:s11+$0xFFFFFFF0];
	_ =	sdelay $0x3  }
0xb9: {  	[tilespmem:v6+s3+$0x0] =	vst.idx.msk $0xffff, v4  }
0xba: {  	[tilespmem:v6+s22+$0x0] =	vst.idx.msk $0xffff, v8  }
0xbb: {  	[tilespmem:v5+s19+$0x0] =	vst.idx.add.s32.msk vm0, v7  }
0xbc: {  	v4 =	vld [tilespmem:s12+$0x0];
	_ =	sdelay $0x4  }
0xbd: {  	v5 =	vshrl.u32 v4, $0xB  }
0xbe: {  	v63 =	vand.u32 $0x7FF, v5  }
0xbf: {  	v6 =	vor.u32 $0x800, v63  }
0xc0: {  	(xrf1) =	vunique.msk.u32 $0xffff, v6;
	_ =	sdelay $0x3  }
0xc1: {  	v5 =	vand.u32 $0x7F, v5;
	v6 =	vand.u32 $0xF80, v6  }
0xc2: {  	v5 =	vor.u32 v5, v6;
	_ =	sdelay $0x4  }
0xc3: {  	v6 =	vld.idx.msk [tilespmem:v5+s19+$0x0], $0xffff;
	_ =	sdelay $0x3  }
0xc4: {  	_, v7, vm0 =	vpop (xrf1)  }
0xc5: {  	v6 =	vadd.s32 v7, v6  }
0xc6: {  	v6 =	vadd.s32 $0xFFFFFFFF, v6  }
0xc7: {  	s10 =	sadd.s32 $0x2, s10;
	v8 =	vld [tilespmem:s11+$0x0]  }
0xc8: {  	p0 =	slt.u32 s10, $0x1FE  }
.Ltmp6:
0xc9: {  	_ = 	snop;
	(pc) =	sbr.rel @p0 .LBB2_13-.Ltmp6, $4  }
0xca: {  	_ = 	snop  }
0xcb: {  	[tilespmem:v6+s3+$0x0] =	vst.idx.msk $0xffff, v4  }
0xcc: {  	s13 =	simm.s32 $0xFFFFFFFE;
	s14 =	simm.s32 $0x2010;
	[tilespmem:v6+s22+$0x0] =	vst.idx.msk $0xffff, v8  }
0xcd: {  	s16 =	simm.s32 $0x10;
	s11 =	sadd.s32 $0x20, s11;
	s12 =	sadd.s32 $0x20, s12;
	[tilespmem:v5+s19+$0x0] =	vst.idx.add.s32.msk vm0, v7  }
.LBB2_14:
0xce: {  	v4 =	vld [tilespmem:s16+$0xFFFFFFF0];
	_ =	sdelay $0x4  }
0xcf: {  	v5 =	vshrl.u32 v4, $0x16  }
0xd0: {  	v5 =	vor.u32 $0x1000, v5  }
0xd1: {  	(xrf1) =	vunique.msk.u32 $0xffff, v5;
	_ =	sdelay $0x9  }
0xd2: {  	v6 =	vld.idx.msk [tilespmem:v5+s19+$0x0], $0xffff;
	_ =	sdelay $0x3  }
0xd3: {  	_, v7, vm0 =	vpop (xrf1)  }
0xd4: {  	v6 =	vadd.s32 v7, v6  }
0xd5: {  	v8 =	vld [tilespmem:s14+$0xFFFFFFF0];
	v6 =	vadd.s32 $0xFFFFFFFF, v6;
	_ =	sdelay $0x1  }
0xd6: {  	vm1 =	vgt.s32 v4, $0xFFFFFFFF  }
0xd7: {  	v9 =	vsel vm1, $0xFFFFFFFF, v3  }
0xd8: {  	v4 =	vxor.u32 v4, v9  }
0xd9: {  	[tilespmem:v6+s17+$0x0] =	vst.idx.msk $0xffff, v4;
	v4 =	vadd.s32 v0, v8  }
0xda: {  	[tilespmem:v6+s21+$0x0] =	vst.idx.msk $0xffff, v4  }
0xdb: {  	[tilespmem:v5+s19+$0x0] =	vst.idx.add.s32.msk vm0, v7  }
0xdc: {  	v4 =	vld [tilespmem:s16+$0x0];
	_ =	sdelay $0x4  }
0xdd: {  	v5 =	vshrl.u32 v4, $0x16  }
0xde: {  	v5 =	vor.u32 $0x1000, v5  }
0xdf: {  	(xrf1) =	vunique.msk.u32 $0xffff, v5;
	_ =	sdelay $0x9  }
0xe0: {  	v6 =	vld.idx.msk [tilespmem:v5+s19+$0x0], $0xffff;
	_ =	sdelay $0x3  }
0xe1: {  	_, v7, vm0 =	vpop (xrf1)  }
0xe2: {  	v6 =	vadd.s32 v7, v6  }
0xe3: {  	v62 =	vld [tilespmem:s14+$0x0];
	v6 =	vadd.s32 $0xFFFFFFFF, v6  }
0xe4: {  	s13 =	sadd.s32 $0x2, s13  }
0xe5: {  	p0 =	slt.u32 s13, $0x1FE;
	vm15 =	vgt.s32 v4, $0xFFFFFFFF  }
.Ltmp7:
0xe6: {  	v63 =	vsel vm15, $0xFFFFFFFF, v3;
	(pc) =	sbr.rel @p0 .LBB2_14-.Ltmp7, $4  }
0xe7: {  	v4 =	vxor.u32 v4, v63  }
0xe8: {  	[tilespmem:v6+s17+$0x0] =	vst.idx.msk $0xffff, v4;
	v4 =	vadd.s32 v0, v62  }
0xe9: {  	[tilespmem:v6+s21+$0x0] =	vst.idx.msk $0xffff, v4  }
0xea: {  	s14 =	sadd.s32 $0x20, s14;
	s16 =	sadd.s32 $0x20, s16;
	[tilespmem:v5+s19+$0x0] =	vst.idx.add.s32.msk vm0, v7  }
0xeb: {  	s10 =	rddreg [dreg:$0x7];
	s16 =	simm.s32 $0x80;
	s11 =	simm.s32 $0x400  }
0xec: {  	[hbm4b:s10+s16] =	stream.strided.scatter [tilespmem:s17], [sflag:$0x9], $0x2000, s11, s16, $0x38;
	[tilespmem:$0x1B400] =	vst v63  }
0xed: {  	_ =	swait.ge [sflag:s18], $0x2000  }
0xee: {  	[sflag:s18] =	ssyncset.done $0x0  }
0xef: {  	[sflag:s18] =	ssyncadd.s32 $0xFFFFE000  }
0xf0: {  	[tilespmem:s24], [sflag:$0x1] =	stream.indirect.gather [hbm4b:s1+s23], $0x80, s21, s23, $0xb8;
	[tilespmem:$0x1B400] =	vst v63  }
0xf1: {  	s14 =	simm.s32 $0x6040  }
0xf2: {  	[tilespmem:s26], [sflag:$0x2] =	stream.indirect.gather [hbm4b:s1+s23], $0x80, s14, s23, $0xb8;
	[tilespmem:$0x1B400] =	vst v63  }
0xf3: {  	s11 =	simm.s32 $0x6080  }
0xf4: {  	[tilespmem:s29], [sflag:$0x3] =	stream.indirect.gather [hbm4b:s1+s23], $0x80, s11, s23, $0xb8;
	[tilespmem:$0x1B400] =	vst v63  }
0xf5: {  	s12 =	simm.s32 $0x60C0  }
0xf6: {  	[tilespmem:s31], [sflag:$0x4] =	stream.indirect.gather [hbm4b:s1+s23], $0x80, s12, s23, $0xb8;
	[tilespmem:$0x1B400] =	vst v63  }
0xf7: {  	s13 =	simm.s32 $0x6100  }
0xf8: {  	[tilespmem:s0], [sflag:$0x5] =	stream.indirect.gather [hbm4b:s1+s23], $0x80, s13, s23, $0xb8;
	[tilespmem:$0x1B400] =	vst v63  }
0xf9: {  	s14 =	simm.s32 $0x6140  }
0xfa: {  	[tilespmem:s28], [sflag:$0x6] =	stream.indirect.gather [hbm4b:s1+s23], $0x80, s14, s23, $0xb8;
	[tilespmem:$0x1B400] =	vst v63  }
0xfb: {  	s11 =	simm.s32 $0x6180  }
0xfc: {  	[tilespmem:s2], [sflag:$0x7] =	stream.indirect.gather [hbm4b:s1+s23], $0x80, s11, s23, $0xb8;
	[tilespmem:$0x1B400] =	vst v63  }
0xfd: {  	s12 =	simm.s32 $0x61C0  }
0xfe: {  	[tilespmem:s30], [sflag:$0x8] =	stream.indirect.gather [hbm4b:s1+s23], $0x80, s12, s23, $0xb8;
	[tilespmem:$0x1B400] =	vst v63  }
0xff: {  	_ =	swait.ge [sflag:s25], $0x2000  }
0x100: {  	s13 =	rddreg [dreg:$0x5];
	[sflag:s25] =	ssyncset.done $0x0  }
0x101: {  	[sflag:s25] =	ssyncadd.s32 $0xFFFFE000;
	s10 =	sadd.s32 $0x0, s13  }
0x102: {  	[hbm4b:s10+s3] =	stream.linear.scatter [tilespmem:s24], [sflag:$0x9], $0x2000, $0x38;
	[tilespmem:$0x1B400] =	vst v63  }
0x103: {  	_ =	swait.ge [sflag:s18], $0x2000  }
0x104: {  	[sflag:s18] =	ssyncset.done $0x0  }
0x105: {  	s14 =	simm.s32 $0x6200;
	[sflag:s18] =	ssyncadd.s32 $0xFFFFE000  }
0x106: {  	[tilespmem:s24], [sflag:$0x1] =	stream.indirect.gather [hbm4b:s1+s23], $0x80, s14, s23, $0xb8;
	[tilespmem:$0x1B400] =	vst v63  }
0x107: {  	_ =	swait.ge [sflag:s4], $0x2000  }
0x108: {  	[sflag:s4] =	ssyncset.done $0x0  }
0x109: {  	s12 =	sadd.s32 $0x400, s10;
	[sflag:s4] =	ssyncadd.s32 $0xFFFFE000  }
0x10a: {  	[hbm4b:s12+s3] =	stream.linear.scatter [tilespmem:s26], [sflag:$0x9], $0x2000, $0x38;
	[tilespmem:$0x1B400] =	vst v63  }
0x10b: {  	_ =	swait.ge [sflag:s18], $0x2000  }
0x10c: {  	[sflag:s18] =	ssyncset.done $0x0  }
0x10d: {  	s13 =	simm.s32 $0x6240;
	[sflag:s18] =	ssyncadd.s32 $0xFFFFE000  }
0x10e: {  	[tilespmem:s26], [sflag:$0x2] =	stream.indirect.gather [hbm4b:s1+s23], $0x80, s13, s23, $0xb8;
	[tilespmem:$0x1B400] =	vst v63  }
0x10f: {  	_ =	swait.ge [sflag:s5], $0x2000  }
0x110: {  	[sflag:s5] =	ssyncset.done $0x0  }
0x111: {  	s14 =	sadd.s32 $0x800, s10;
	[sflag:s5] =	ssyncadd.s32 $0xFFFFE000  }
0x112: {  	[hbm4b:s14+s3] =	stream.linear.scatter [tilespmem:s29], [sflag:$0x9], $0x2000, $0x38;
	[tilespmem:$0x1B400] =	vst v63  }
0x113: {  	_ =	swait.ge [sflag:s18], $0x2000  }
0x114: {  	[sflag:s18] =	ssyncset.done $0x0  }
0x115: {  	s12 =	simm.s32 $0x6280;
	[sflag:s18] =	ssyncadd.s32 $0xFFFFE000  }
0x116: {  	[tilespmem:s29], [sflag:$0x3] =	stream.indirect.gather [hbm4b:s1+s23], $0x80, s12, s23, $0xb8;
	[tilespmem:$0x1B400] =	vst v63  }
0x117: {  	_ =	swait.ge [sflag:s6], $0x2000  }
0x118: {  	[sflag:s6] =	ssyncset.done $0x0  }
0x119: {  	s13 =	sadd.s32 $0xC00, s10;
	[sflag:s6] =	ssyncadd.s32 $0xFFFFE000  }
0x11a: {  	[hbm4b:s13+s3] =	stream.linear.scatter [tilespmem:s31], [sflag:$0x9], $0x2000, $0x38;
	[tilespmem:$0x1B400] =	vst v63  }
0x11b: {  	_ =	swait.ge [sflag:s18], $0x2000  }
0x11c: {  	[sflag:s18] =	ssyncset.done $0x0  }
0x11d: {  	s14 =	simm.s32 $0x62C0;
	[sflag:s18] =	ssyncadd.s32 $0xFFFFE000  }
0x11e: {  	[tilespmem:s31], [sflag:$0x4] =	stream.indirect.gather [hbm4b:s1+s23], $0x80, s14, s23, $0xb8;
	[tilespmem:$0x1B400] =	vst v63  }
0x11f: {  	_ =	swait.ge [sflag:s7], $0x2000  }
0x120: {  	[sflag:s7] =	ssyncset.done $0x0  }
0x121: {  	s12 =	sadd.s32 $0x1000, s10;
	[sflag:s7] =	ssyncadd.s32 $0xFFFFE000  }
0x122: {  	[hbm4b:s12+s3] =	stream.linear.scatter [tilespmem:s0], [sflag:$0x9], $0x2000, $0x38;
	[tilespmem:$0x1B400] =	vst v63  }
0x123: {  	_ =	swait.ge [sflag:s18], $0x2000  }
0x124: {  	[sflag:s18] =	ssyncset.done $0x0  }
0x125: {  	s13 =	simm.s32 $0x6300;
	[sflag:s18] =	ssyncadd.s32 $0xFFFFE000  }
0x126: {  	[tilespmem:s0], [sflag:$0x5] =	stream.indirect.gather [hbm4b:s1+s23], $0x80, s13, s23, $0xb8;
	[tilespmem:$0x1B400] =	vst v63  }
0x127: {  	_ =	swait.ge [sflag:s8], $0x2000  }
0x128: {  	[sflag:s8] =	ssyncset.done $0x0  }
0x129: {  	s14 =	sadd.s32 $0x1400, s10;
	[sflag:s8] =	ssyncadd.s32 $0xFFFFE000  }
0x12a: {  	[hbm4b:s14+s3] =	stream.linear.scatter [tilespmem:s28], [sflag:$0x9], $0x2000, $0x38;
	[tilespmem:$0x1B400] =	vst v63  }
0x12b: {  	_ =	swait.ge [sflag:s18], $0x2000  }
0x12c: {  	[sflag:s18] =	ssyncset.done $0x0  }
0x12d: {  	s12 =	simm.s32 $0x6340;
	[sflag:s18] =	ssyncadd.s32 $0xFFFFE000  }
0x12e: {  	[tilespmem:s28], [sflag:$0x6] =	stream.indirect.gather [hbm4b:s1+s23], $0x80, s12, s23, $0xb8;
	[tilespmem:$0x1B400] =	vst v63  }
0x12f: {  	_ =	swait.ge [sflag:s15], $0x2000  }
0x130: {  	[sflag:s15] =	ssyncset.done $0x0  }
0x131: {  	s13 =	sadd.s32 $0x1800, s10;
	[sflag:s15] =	ssyncadd.s32 $0xFFFFE000  }
0x132: {  	[hbm4b:s13+s3] =	stream.linear.scatter [tilespmem:s2], [sflag:$0x9], $0x2000, $0x38;
	[tilespmem:$0x1B400] =	vst v63  }
0x133: {  	_ =	swait.ge [sflag:s18], $0x2000  }
0x134: {  	[sflag:s18] =	ssyncset.done $0x0  }
0x135: {  	s14 =	simm.s32 $0x6380;
	[sflag:s18] =	ssyncadd.s32 $0xFFFFE000  }
0x136: {  	[tilespmem:s2], [sflag:$0x7] =	stream.indirect.gather [hbm4b:s1+s23], $0x80, s14, s23, $0xb8;
	[tilespmem:$0x1B400] =	vst v63  }
0x137: {  	_ =	swait.ge [sflag:s9], $0x2000  }
0x138: {  	[sflag:s9] =	ssyncset.done $0x0  }
0x139: {  	s10 =	sadd.s32 $0x1C00, s10;
	[sflag:s9] =	ssyncadd.s32 $0xFFFFE000  }
0x13a: {  	[hbm4b:s10+s3] =	stream.linear.scatter [tilespmem:s30], [sflag:$0x9], $0x2000, $0x38;
	[tilespmem:$0x1B400] =	vst v63  }
0x13b: {  	_ =	swait.ge [sflag:s18], $0x2000  }
0x13c: {  	s11 =	simm.s32 $0x2000;
	[sflag:s18] =	ssyncset.done $0x0  }
0x13d: {  	s12 =	simm.s32 $0x65C0;
	s10 =	simm.s32 $0x63C0;
	[sflag:s18] =	ssyncadd.s32 $0xFFFFE000  }
.LBB2_16:
0x13e: {  	[tilespmem:s30], [sflag:$0x8] =	stream.indirect.gather [hbm4b:s1+s23], $0x80, s10, s23, $0xb8;
	[tilespmem:$0x1B400] =	vst v63  }
0x13f: {  	_ =	swait.ge [sflag:s25], $0x2000  }
0x140: {  	s13 =	smov.u32 s11;
	s14 =	rddreg [dreg:$0x5];
	[sflag:s25] =	ssyncset.done $0x0  }
0x141: {  	[sflag:s25] =	ssyncadd.s32 $0xFFFFE000;
	s13 =	sadd.s32 s13, s14  }
0x142: {  	[hbm4b:s13+s3] =	stream.linear.scatter [tilespmem:s24], [sflag:$0x9], $0x2000, $0x38;
	[tilespmem:$0x1B400] =	vst v63  }
0x143: {  	_ =	swait.ge [sflag:s18], $0x2000  }
0x144: {  	[sflag:s18] =	ssyncset.done $0x0  }
0x145: {  	s14 =	sadd.s32 $0xFFFFFE40, s12;
	[sflag:s18] =	ssyncadd.s32 $0xFFFFE000  }
0x146: {  	[tilespmem:s24], [sflag:$0x1] =	stream.indirect.gather [hbm4b:s1+s23], $0x80, s14, s23, $0xb8;
	[tilespmem:$0x1B400] =	vst v63  }
0x147: {  	_ =	swait.ge [sflag:s4], $0x2000  }
0x148: {  	[sflag:s4] =	ssyncset.done $0x0  }
0x149: {  	s14 =	sadd.s32 $0x400, s13;
	[sflag:s4] =	ssyncadd.s32 $0xFFFFE000  }
0x14a: {  	[hbm4b:s14+s3] =	stream.linear.scatter [tilespmem:s26], [sflag:$0x9], $0x2000, $0x38;
	[tilespmem:$0x1B400] =	vst v63  }
0x14b: {  	_ =	swait.ge [sflag:s18], $0x2000  }
0x14c: {  	[sflag:s18] =	ssyncset.done $0x0  }
0x14d: {  	s14 =	sadd.s32 $0xFFFFFE80, s12;
	[sflag:s18] =	ssyncadd.s32 $0xFFFFE000  }
0x14e: {  	[tilespmem:s26], [sflag:$0x2] =	stream.indirect.gather [hbm4b:s1+s23], $0x80, s14, s23, $0xb8;
	[tilespmem:$0x1B400] =	vst v63  }
0x14f: {  	_ =	swait.ge [sflag:s5], $0x2000  }
0x150: {  	[sflag:s5] =	ssyncset.done $0x0  }
0x151: {  	s14 =	sadd.s32 $0x800, s13;
	[sflag:s5] =	ssyncadd.s32 $0xFFFFE000  }
0x152: {  	[hbm4b:s14+s3] =	stream.linear.scatter [tilespmem:s29], [sflag:$0x9], $0x2000, $0x38;
	[tilespmem:$0x1B400] =	vst v63  }
0x153: {  	_ =	swait.ge [sflag:s18], $0x2000  }
0x154: {  	[sflag:s18] =	ssyncset.done $0x0  }
0x155: {  	s14 =	sadd.s32 $0xFFFFFEC0, s12;
	[sflag:s18] =	ssyncadd.s32 $0xFFFFE000  }
0x156: {  	[tilespmem:s29], [sflag:$0x3] =	stream.indirect.gather [hbm4b:s1+s23], $0x80, s14, s23, $0xb8;
	[tilespmem:$0x1B400] =	vst v63  }
0x157: {  	_ =	swait.ge [sflag:s6], $0x2000  }
0x158: {  	[sflag:s6] =	ssyncset.done $0x0  }
0x159: {  	s14 =	sadd.s32 $0xC00, s13;
	[sflag:s6] =	ssyncadd.s32 $0xFFFFE000  }
0x15a: {  	[hbm4b:s14+s3] =	stream.linear.scatter [tilespmem:s31], [sflag:$0x9], $0x2000, $0x38;
	[tilespmem:$0x1B400] =	vst v63  }
0x15b: {  	_ =	swait.ge [sflag:s18], $0x2000  }
0x15c: {  	[sflag:s18] =	ssyncset.done $0x0  }
0x15d: {  	s14 =	sadd.s32 $0xFFFFFF00, s12;
	[sflag:s18] =	ssyncadd.s32 $0xFFFFE000  }
0x15e: {  	[tilespmem:s31], [sflag:$0x4] =	stream.indirect.gather [hbm4b:s1+s23], $0x80, s14, s23, $0xb8;
	[tilespmem:$0x1B400] =	vst v63  }
0x15f: {  	_ =	swait.ge [sflag:s7], $0x2000  }
0x160: {  	[sflag:s7] =	ssyncset.done $0x0  }
0x161: {  	s14 =	sadd.s32 $0x1000, s13;
	[sflag:s7] =	ssyncadd.s32 $0xFFFFE000  }
0x162: {  	[hbm4b:s14+s3] =	stream.linear.scatter [tilespmem:s0], [sflag:$0x9], $0x2000, $0x38;
	[tilespmem:$0x1B400] =	vst v63  }
0x163: {  	_ =	swait.ge [sflag:s18], $0x2000  }
0x164: {  	[sflag:s18] =	ssyncset.done $0x0  }
0x165: {  	s14 =	sadd.s32 $0xFFFFFF40, s12;
	[sflag:s18] =	ssyncadd.s32 $0xFFFFE000  }
0x166: {  	[tilespmem:s0], [sflag:$0x5] =	stream.indirect.gather [hbm4b:s1+s23], $0x80, s14, s23, $0xb8;
	[tilespmem:$0x1B400] =	vst v63  }
0x167: {  	_ =	swait.ge [sflag:s8], $0x2000  }
0x168: {  	[sflag:s8] =	ssyncset.done $0x0  }
0x169: {  	s14 =	sadd.s32 $0x1400, s13;
	[sflag:s8] =	ssyncadd.s32 $0xFFFFE000  }
0x16a: {  	[hbm4b:s14+s3] =	stream.linear.scatter [tilespmem:s28], [sflag:$0x9], $0x2000, $0x38;
	[tilespmem:$0x1B400] =	vst v63  }
0x16b: {  	_ =	swait.ge [sflag:s18], $0x2000  }
0x16c: {  	[sflag:s18] =	ssyncset.done $0x0  }
0x16d: {  	s14 =	sadd.s32 $0xFFFFFF80, s12;
	[sflag:s18] =	ssyncadd.s32 $0xFFFFE000  }
0x16e: {  	[tilespmem:s28], [sflag:$0x6] =	stream.indirect.gather [hbm4b:s1+s23], $0x80, s14, s23, $0xb8;
	[tilespmem:$0x1B400] =	vst v63  }
0x16f: {  	_ =	swait.ge [sflag:s15], $0x2000  }
0x170: {  	[sflag:s15] =	ssyncset.done $0x0  }
0x171: {  	s14 =	sadd.s32 $0x1800, s13;
	[sflag:s15] =	ssyncadd.s32 $0xFFFFE000  }
0x172: {  	[hbm4b:s14+s3] =	stream.linear.scatter [tilespmem:s2], [sflag:$0x9], $0x2000, $0x38;
	[tilespmem:$0x1B400] =	vst v63  }
0x173: {  	_ =	swait.ge [sflag:s18], $0x2000  }
0x174: {  	[sflag:s18] =	ssyncset.done $0x0  }
0x175: {  	s14 =	sadd.s32 $0xFFFFFFC0, s12;
	[sflag:s18] =	ssyncadd.s32 $0xFFFFE000  }
0x176: {  	[tilespmem:s2], [sflag:$0x7] =	stream.indirect.gather [hbm4b:s1+s23], $0x80, s14, s23, $0xb8;
	[tilespmem:$0x1B400] =	vst v63  }
0x177: {  	_ =	swait.ge [sflag:s9], $0x2000  }
0x178: {  	p0 =	sne.s32 s11, $0x1C000;
	[sflag:s9] =	ssyncset.done $0x0  }
.Ltmp8:
0x179: {  	s13 =	sadd.s32 $0x1C00, s13;
	[sflag:s9] =	ssyncadd.s32 $0xFFFFE000;
	(pc) =	sbr.rel @p0 .LBB2_16-.Ltmp8, $4  }
0x17a: {  	[hbm4b:s13+s3] =	stream.linear.scatter [tilespmem:s30], [sflag:$0x9], $0x2000, $0x38;
	[tilespmem:$0x1B400] =	vst v63  }
0x17b: {  	_ =	swait.ge [sflag:s18], $0x2000  }
0x17c: {  	s10 =	smov.u32 s12;
	[sflag:s18] =	ssyncset.done $0x0  }
0x17d: {  	s11 =	sadd.s32 $0x2000, s11;
	s12 =	sadd.s32 $0x200, s12;
	[sflag:s18] =	ssyncadd.s32 $0xFFFFE000  }
0x17e: {  	[tilespmem:s30], [sflag:$0x8] =	stream.indirect.gather [hbm4b:s1+s23], $0x80, s10, s23, $0xb8;
	[tilespmem:$0x1B400] =	vst v63  }
0x17f: {  	_ =	swait.ge [sflag:s25], $0x2000  }
0x180: {  	[sflag:s25] =	ssyncset.done $0x0  }
0x181: {  	s14 =	rddreg [dreg:$0x8];
	[sflag:s25] =	ssyncadd.s32 $0xFFFFE000  }
0x182: {  	[hbm4b:s14+s3] =	stream.linear.scatter [tilespmem:s24], [sflag:$0x9], $0x2000, $0x38;
	[tilespmem:$0x1B400] =	vst v63  }
0x183: {  	_ =	swait.ge [sflag:s18], $0x2000  }
0x184: {  	[sflag:s18] =	ssyncset.done $0x0  }
0x185: {  	[sflag:s18] =	ssyncadd.s32 $0xFFFFE000  }
0x186: {  	_ =	swait.ge [sflag:s4], $0x2000  }
0x187: {  	[sflag:s4] =	ssyncset.done $0x0  }
0x188: {  	s11 =	rddreg [dreg:$0x9];
	[sflag:s4] =	ssyncadd.s32 $0xFFFFE000  }
0x189: {  	[hbm4b:s11+s3] =	stream.linear.scatter [tilespmem:s26], [sflag:$0x9], $0x2000, $0x38;
	[tilespmem:$0x1B400] =	vst v63  }
0x18a: {  	_ =	swait.ge [sflag:s18], $0x2000  }
0x18b: {  	[sflag:s18] =	ssyncset.done $0x0  }
0x18c: {  	[sflag:s18] =	ssyncadd.s32 $0xFFFFE000  }
0x18d: {  	_ =	swait.ge [sflag:s5], $0x2000  }
0x18e: {  	[sflag:s5] =	ssyncset.done $0x0  }
0x18f: {  	s12 =	rddreg [dreg:$0xa];
	[sflag:s5] =	ssyncadd.s32 $0xFFFFE000  }
0x190: {  	[hbm4b:s12+s3] =	stream.linear.scatter [tilespmem:s29], [sflag:$0x9], $0x2000, $0x38;
	[tilespmem:$0x1B400] =	vst v63  }
0x191: {  	_ =	swait.ge [sflag:s18], $0x2000  }
0x192: {  	[sflag:s18] =	ssyncset.done $0x0  }
0x193: {  	[sflag:s18] =	ssyncadd.s32 $0xFFFFE000  }
0x194: {  	_ =	swait.ge [sflag:s6], $0x2000  }
0x195: {  	[sflag:s6] =	ssyncset.done $0x0  }
0x196: {  	s13 =	rddreg [dreg:$0xb];
	[sflag:s6] =	ssyncadd.s32 $0xFFFFE000  }
0x197: {  	[hbm4b:s13+s3] =	stream.linear.scatter [tilespmem:s31], [sflag:$0x9], $0x2000, $0x38;
	[tilespmem:$0x1B400] =	vst v63  }
0x198: {  	_ =	swait.ge [sflag:s18], $0x2000  }
0x199: {  	[sflag:s18] =	ssyncset.done $0x0  }
0x19a: {  	[sflag:s18] =	ssyncadd.s32 $0xFFFFE000  }
0x19b: {  	_ =	swait.ge [sflag:s7], $0x2000  }
0x19c: {  	[sflag:s7] =	ssyncset.done $0x0  }
0x19d: {  	s14 =	rddreg [dreg:$0xc];
	[sflag:s7] =	ssyncadd.s32 $0xFFFFE000  }
0x19e: {  	[hbm4b:s14+s3] =	stream.linear.scatter [tilespmem:s0], [sflag:$0x9], $0x2000, $0x38;
	[tilespmem:$0x1B400] =	vst v63  }
0x19f: {  	_ =	swait.ge [sflag:s18], $0x2000  }
0x1a0: {  	[sflag:s18] =	ssyncset.done $0x0  }
0x1a1: {  	[sflag:s18] =	ssyncadd.s32 $0xFFFFE000  }
0x1a2: {  	_ =	swait.ge [sflag:s8], $0x2000  }
0x1a3: {  	[sflag:s8] =	ssyncset.done $0x0  }
0x1a4: {  	s11 =	rddreg [dreg:$0xd];
	[sflag:s8] =	ssyncadd.s32 $0xFFFFE000  }
0x1a5: {  	[hbm4b:s11+s3] =	stream.linear.scatter [tilespmem:s28], [sflag:$0x9], $0x2000, $0x38;
	[tilespmem:$0x1B400] =	vst v63  }
0x1a6: {  	_ =	swait.ge [sflag:s18], $0x2000  }
0x1a7: {  	[sflag:s18] =	ssyncset.done $0x0  }
0x1a8: {  	[sflag:s18] =	ssyncadd.s32 $0xFFFFE000  }
0x1a9: {  	_ =	swait.ge [sflag:s15], $0x2000  }
0x1aa: {  	[sflag:s15] =	ssyncset.done $0x0  }
0x1ab: {  	s12 =	rddreg [dreg:$0xe];
	[sflag:s15] =	ssyncadd.s32 $0xFFFFE000  }
0x1ac: {  	[hbm4b:s12+s3] =	stream.linear.scatter [tilespmem:s2], [sflag:$0x9], $0x2000, $0x38;
	[tilespmem:$0x1B400] =	vst v63  }
0x1ad: {  	_ =	swait.ge [sflag:s18], $0x2000  }
0x1ae: {  	[sflag:s18] =	ssyncset.done $0x0  }
0x1af: {  	[sflag:s18] =	ssyncadd.s32 $0xFFFFE000  }
0x1b0: {  	_ =	swait.ge [sflag:s9], $0x2000  }
0x1b1: {  	[sflag:s9] =	ssyncset.done $0x0  }
0x1b2: {  	s13 =	rddreg [dreg:$0xf];
	[sflag:s9] =	ssyncadd.s32 $0xFFFFE000  }
0x1b3: {  	[hbm4b:s13+s3] =	stream.linear.scatter [tilespmem:s30], [sflag:$0x9], $0x2000, $0x38;
	[tilespmem:$0x1B400] =	vst v63  }
0x1b4: {  	_ =	swait.ge [sflag:s18], $0x2000  }
0x1b5: {  	s11 =	rddreg [dreg:$0x11]  }
0x1b6: {  	s14 =	rddreg [dreg:$0x10];
	s11 =	sadd.s32 $0x1, s11  }
0x1b7: {  	p0 =	sne.s32 s11, s14  }
.Ltmp9:
0x1b8: {  	_ = 	snop;
	(pc) =	sbr.rel @p0 .LBB2_1-.Ltmp9, $3  }
0x1b9: {  	_ =	sdelay $0x1  }
0x1ba: {  	[sflag:s18] =	ssyncset.done $0x0  }
0x1bb: {  	[sflag:s18] =	ssyncadd.s32 $0xFFFFE000  }
0x1bc: {  	_ =	sfence.sel $0x180000  }
0x1bd: {  	[bflag:$0x0] =	sbarrier.arrive $0xFFFF  }
0x1be: {  	_ =	strace $0x90000047  }
0x1bf: {  	s0 =	stileid.u32;
	[bflag:$0x2] =	sbarrier.arrive $0xFFFF  }
0x1c0: {  	p0 =	sne.s32 s0, $0x0;
	s0 =	rddreg [dreg:$0x4]  }
0x1c1: {  	s0 =	sadd.s32 @!p0 $0x100000, s0  }
0x1c2: {  	[sflag:s0] =	ssyncadd.tile.s32 @!p0 $0x1;
	_ =	shalt  }
.Lfunc_end2:
_tile_overlayer_lowered:
.L_overlay_start_2:
0x1c3: {  	(tag) =	ssettag $0x2  }
0x1c4: {  	s0 =	rddreg [dreg:$0x0];
	s2 =	stileid.u32  }
0x1c5: {  	s1 =	rddreg [dreg:$0x1];
	p0 =	sne.s32 s2, $0x0  }
0x1c6: {  	s3 =	rddreg [dreg:$0x2];
	[bflag:$0x3] =	sbarrier.arrive $0xFFFF;
	s2 =	simm.s32 @!p0 $0x1C09  }
0x1c7: {  	[timem:s3], [sflag:s2] =	dma.local @!p0 [hbm:s0], s1  }
0x1c8: {  	s0 =	simm.s32 @!p0 $0x9  }
0x1c9: {  	_ =	swait.ge @!p0 [sflag:s0], s1  }
0x1ca: {  	s1 =	ssub.s32 @!p0 $0x0, s1;
	[sflag:s0] =	ssyncset.done @!p0 $0x0  }
0x1cb: {  	[sflag:s0] =	ssyncadd.s32 @!p0 s1  }
0x1cc: {  	[bflag:$0x3] =	sbarrier.arrive $0xFFFF  }
0x1cd: {  	_ =	shalt  }

</sc_bundles>
